<compile_context>
chip_gen: v7x
topology: tpu7x:2x2x1
jax: 0.10.2.dev20260603
libtpu: 0.0.44.dev20260713+nightly
codegen_flags: <defaults>
</compile_context>

<pallas_src>
import functools

import jax
import jax.numpy as jnp
from jax import lax
from jax.experimental import pallas as pl
from jax.experimental.pallas import tpu as pltpu
from jax.experimental.pallas import tpu_sc as plsc

D = 128
B = 1024
S = 200
L = 16
NC, NS = 2, 16
NW = NC * NS
ROWS_PER_W = B // NW
G0, G1 = 128, 72
W0, W1 = 136, 64
FLAT = B * S


@jax.jit
def _sc_embed(x_flat, token_table, pos_table):
    mesh = plsc.VectorSubcoreMesh(core_axis_name="c", subcore_axis_name="s")

    @functools.partial(
        pl.kernel,
        mesh=mesh,
        out_type=jax.ShapeDtypeStruct((FLAT, D), jnp.float32),
        scratch_types=[
            pltpu.VMEM((S * ROWS_PER_W,), jnp.int32),
            pltpu.VMEM((S, D), jnp.float32),
            pltpu.VMEM_SHARED((NS, 2, W1, D), jnp.float32),
            pltpu.VMEM((S, D), jnp.float32),
            pltpu.VMEM((S, D), jnp.float32),
            pltpu.SemaphoreType.DMA,
            pltpu.SemaphoreType.DMA,
            pltpu.SemaphoreType.DMA,
            pltpu.SemaphoreType.DMA,
            pltpu.SemaphoreType.DMA,
            pltpu.SemaphoreType.DMA,
            pltpu.SemaphoreType.DMA,
            pltpu.SemaphoreType.DMA,
            pltpu.SemaphoreType.DMA,
            pltpu.SemaphoreType.DMA,
            pltpu.SemaphoreType.DMA,
        ],
    )
    def k(tok_hbm, pos_hbm, idx_hbm, out_hbm, idx_v, pos_v, shared,
          buf0, buf1, gsem0, gsem1, gbsem0, gbsem1, s1sem0, s1sem1,
          odsem0, odsem1, s2sem0, s2sem1, psem):
        bufs = (buf0, buf1)
        gsem = (gsem0, gsem1)
        gbsem = (gbsem0, gbsem1)
        s1sem = (s1sem0, s1sem1)
        odsem = (odsem0, odsem1)
        s2sem = (s2sem0, s2sem1)

        sid = lax.axis_index("s")
        wid = sid * NC + lax.axis_index("c")
        wbase = wid * (S * ROWS_PER_W)
        pltpu.sync_copy(idx_hbm.at[pl.ds(wbase, S * ROWS_PER_W)], idx_v)
        pos_copy = pltpu.async_copy(pos_hbm, pos_v, psem)

        def fire_gather(r, kb):
            pltpu.async_copy(
                tok_hbm.at[idx_v.at[pl.ds(r * S, G0)]],
                bufs[kb].at[pl.ds(0, G0)], gsem[kb])
            pltpu.async_copy(
                tok_hbm.at[idx_v.at[pl.ds(r * S + G0, G1)]],
                bufs[kb].at[pl.ds(G0, G1)], gbsem[kb])

        def drain_gather_a(kb):
            pltpu.make_async_copy(
                tok_hbm.at[pl.ds(0, G0)], bufs[kb].at[pl.ds(0, G0)],
                gsem[kb]).wait()

        def drain_gather_b(kb):
            pltpu.make_async_copy(
                tok_hbm.at[pl.ds(0, G1)], bufs[kb].at[pl.ds(G0, G1)],
                gbsem[kb]).wait()

        def drain_od(kb):
            pltpu.make_async_copy(
                bufs[kb].at[pl.ds(0, W0)],
                out_hbm.at[pl.ds(0, W0)], odsem[kb]).wait()

        def drain_s1(kb):
            pltpu.make_async_copy(
                bufs[kb].at[pl.ds(W0, W1)], shared.at[sid, kb],
                s1sem[kb]).wait()

        def fire_s2(r, kb):
            pltpu.async_copy(
                shared.at[sid, kb],
                out_hbm.at[pl.ds(wbase + r * S + W0, W1)], s2sem[kb])

        def drain_s2(kb):
            pltpu.make_async_copy(
                shared.at[sid, kb], out_hbm.at[pl.ds(0, W1)],
                s2sem[kb]).wait()

        def add_pos(kb, lo, hi):
            buf = bufs[kb]

            @pl.loop(lo, hi)
            def _(i):
                for c in range(0, D, L):
                    plsc.addupdate(buf.at[i, pl.ds(c, L)],
                                   pos_v[i, pl.ds(c, L)])

        fire_gather(0, 0)
        pos_copy.wait()

        @pl.loop(0, ROWS_PER_W + 2, step=2)
        def _(r0):
            for kb in range(2):
                r = r0 + kb
                kp = 1 - kb
                cond = (r >= 1) & (r < ROWS_PER_W + 1)

                @pl.when(cond)
                def _():
                    drain_s1(kp)
                    fire_s2(r - 1, kp)
                    drain_od(kp)

                @pl.when(r + 1 < ROWS_PER_W)
                def _():
                    fire_gather(r + 1, kp)

                @pl.when(r < ROWS_PER_W)
                def _():
                    drain_gather_a(kb)
                    add_pos(kb, 0, min(G0, W0))
                    if W0 > G0:
                        drain_gather_b(kb)
                        add_pos(kb, G0, W0)
                    pltpu.async_copy(
                        bufs[kb].at[pl.ds(0, W0)],
                        out_hbm.at[pl.ds(wbase + r * S, W0)], odsem[kb])
                    if W0 <= G0:
                        drain_gather_b(kb)
                    add_pos(kb, W0, S)

                    @pl.when(r >= 2)
                    def _():
                        drain_s2(kb)
                    pltpu.async_copy(
                        bufs[kb].at[pl.ds(W0, W1)], shared.at[sid, kb],
                        s1sem[kb])

        drain_s2(0)
        drain_s2(1)

    return k(token_table, pos_table, x_flat)


def kernel(x, token_table, pos_table):
    x_flat = x.reshape(FLAT).astype(jnp.int32)
    out = _sc_embed(x_flat, token_table, pos_table)
    return out.reshape(B, S, D)

# --- scband reference (transcript-rebuilt; emitter-appended) ---
"""Pipeline reference for scband-token-and-position-embedding-73297911874097 (READ-ONLY COPY).

The authoritative reference and input builder live on the scoring server;
editing this copy changes nothing except your own understanding.
"""

import jax, jax.numpy as jnp
import numpy as np

MAXLEN = 200
VOCAB_SIZE = 100000
EMBED_DIM = 128
BATCH = 1024
SEQ = 200

def setup_inputs(seed: int = 0) -> dict:
    key = jax.random.key(seed)
    k1, k2, k3 = jax.random.split(key, 3)
    x = jax.random.randint(k1, (BATCH, SEQ), 0, VOCAB_SIZE, dtype=jnp.int64 if jax.config.jax_enable_x64 else jnp.int32)
    token_table = jax.random.normal(k2, (VOCAB_SIZE, EMBED_DIM), dtype=jnp.float32) * 0.02
    pos_table = jax.random.normal(k3, (MAXLEN, EMBED_DIM), dtype=jnp.float32) * 0.02
    return {"x": x, "token_table": token_table, "pos_table": pos_table}

def reference(x, token_table, pos_table):
    seq = x.shape[-1]
    positions = jnp.arange(seq)
    pos_emb = jnp.take(pos_table, positions, axis=0)  # [seq, d]
    tok_emb = jnp.take(token_table, x, axis=0)        # [B, seq, d]
    return tok_emb + pos_emb[None, :, :]

if __name__ == "__main__":
    import jax
    _d = setup_inputs()
    print(jax.jit(kernel)(*tuple(_d.values())))

</pallas_src>

<mosaic_0001>
#map = affine_map<(d0, d1) -> (0, 0)>
#map1 = affine_map<(d0, d1) -> (0)>
module attributes {stable_mosaic.version = 14 : i64} {
  func.func @k(%arg0: i32, %arg1: i32, %arg2: memref<100000x128xf32, #tpu.memory_space<hbm>>, %arg3: memref<200x128xf32, #tpu.memory_space<hbm>>, %arg4: memref<204800xi32, #tpu.memory_space<hbm>>, %arg5: memref<204800x128xf32, #tpu.memory_space<hbm>>, %arg6: memref<6400xi32, #tpu.memory_space<vmem>>, %arg7: memref<200x128xf32, #tpu.memory_space<vmem>>, %arg8: memref<16x2x64x128xf32, #tpu.memory_space<vmem_shared>>, %arg9: memref<200x128xf32, #tpu.memory_space<vmem>>, %arg10: memref<200x128xf32, #tpu.memory_space<vmem>>, %arg11: memref<!tpu.dma_semaphore, #tpu.memory_space<semaphore_mem>>, %arg12: memref<!tpu.dma_semaphore, #tpu.memory_space<semaphore_mem>>, %arg13: memref<!tpu.dma_semaphore, #tpu.memory_space<semaphore_mem>>, %arg14: memref<!tpu.dma_semaphore, #tpu.memory_space<semaphore_mem>>, %arg15: memref<!tpu.dma_semaphore, #tpu.memory_space<semaphore_mem>>, %arg16: memref<!tpu.dma_semaphore, #tpu.memory_space<semaphore_mem>>, %arg17: memref<!tpu.dma_semaphore, #tpu.memory_space<semaphore_mem>>, %arg18: memref<!tpu.dma_semaphore, #tpu.memory_space<semaphore_mem>>, %arg19: memref<!tpu.dma_semaphore, #tpu.memory_space<semaphore_mem>>, %arg20: memref<!tpu.dma_semaphore, #tpu.memory_space<semaphore_mem>>, %arg21: memref<!tpu.dma_semaphore, #tpu.memory_space<semaphore_mem>>) attributes {dimension_semantics = [#tpu.dimension_semantics<core_parallel>, #tpu.dimension_semantics<subcore_parallel>], iteration_bounds = array<i64: 2, 16>, scalar_prefetch = 0 : i64, scratch_operands = 16 : i64, tpu.core_type = #tpu.core_type<sc_vector_subcore>, window_params = [{transform_indices = #map}, {transform_indices = #map}, {transform_indices = #map1}, {transform_indices = #map}]} {
    %mul3A = arith.constant 2 : i32
    %mul3A_0 = arith.muli %arg1, %mul3A : i32
    %add3A = arith.addi %mul3A_0, %arg0 : i32
    %mul3A_1 = arith.constant 6400 : i32
    %mul3A_2 = arith.muli %add3A, %mul3A_1 : i32
    "tpu.region"() ({
      %run_scoped3A = tpu.sem_alloc : memref<!tpu.dma_semaphore, #tpu.memory_space<semaphore_mem>>
      %dma_start3A_37 = tpu.memref_slice %arg4[%mul3A_2] : memref<204800xi32, #tpu.memory_space<hbm>> -> memref<6400xi32, #tpu.memory_space<hbm>>
      %dma_start3A_38 = tpu.memref_slice %arg4[%mul3A_2] : memref<204800xi32, #tpu.memory_space<hbm>> -> memref<6400xi32, #tpu.memory_space<hbm>>
      tpu.enqueue_dma source(%dma_start3A_38 : memref<6400xi32, #tpu.memory_space<hbm>>) target(%arg6 : memref<6400xi32, #tpu.memory_space<vmem>>) target_semaphore(%run_scoped3A : memref<!tpu.dma_semaphore, #tpu.memory_space<semaphore_mem>>)
      %dma_wait3A_39 = tpu.memref_slice %arg4[%mul3A_2] : memref<204800xi32, #tpu.memory_space<hbm>> -> memref<6400xi32, #tpu.memory_space<hbm>>
      %dma_wait3A_40 = tpu.memref_slice %arg4[%mul3A_2] : memref<204800xi32, #tpu.memory_space<hbm>> -> memref<6400xi32, #tpu.memory_space<hbm>>
      tpu.wait_dma2 semaphore(%run_scoped3A : memref<!tpu.dma_semaphore, #tpu.memory_space<semaphore_mem>>) src(%dma_wait3A_40 : memref<6400xi32, #tpu.memory_space<hbm>>) dst(%arg6 : memref<6400xi32, #tpu.memory_space<vmem>>)
      tpu.yield
    }) : () -> ()
    tpu.enqueue_dma source(%arg3 : memref<200x128xf32, #tpu.memory_space<hbm>>) target(%arg7 : memref<200x128xf32, #tpu.memory_space<vmem>>) target_semaphore(%arg21 : memref<!tpu.dma_semaphore, #tpu.memory_space<semaphore_mem>>)
    %dma_start3A = arith.constant 0 : i32
    %dma_start3A_3 = arith.constant 0 : i32
    %dma_start3A_4 = tpu.memref_slice %arg9[%dma_start3A, %dma_start3A_3] : memref<200x128xf32, #tpu.memory_space<vmem>> -> memref<128x128xf32, #tpu.memory_space<vmem>>
    %dma_start3A_5 = arith.constant 0 : i32
    %dma_start3A_6 = tpu.memref_slice %arg6[%dma_start3A_5] : memref<6400xi32, #tpu.memory_space<vmem>> -> memref<128xi32, #tpu.memory_space<vmem>>
    %dma_start3A_7 = arith.constant 0 : i32
    %dma_start3A_8 = arith.constant 0 : i32
    %dma_start3A_9 = tpu.memref_slice %arg2[%dma_start3A_7, %dma_start3A_8] : memref<100000x128xf32, #tpu.memory_space<hbm>> -> memref<100000x128xf32, #tpu.memory_space<hbm>>
    tpu.enqueue_indirect_dma source(%dma_start3A_9 : memref<100000x128xf32, #tpu.memory_space<hbm>>) target(%dma_start3A_4 : memref<128x128xf32, #tpu.memory_space<vmem>>) offsets(%dma_start3A_6 : memref<128xi32, #tpu.memory_space<vmem>>) semaphore(%arg11 : memref<!tpu.dma_semaphore, #tpu.memory_space<semaphore_mem>>)
    %dma_start3A_10 = arith.constant 128 : i32
    %dma_start3A_11 = arith.constant 0 : i32
    %dma_start3A_12 = tpu.memref_slice %arg9[%dma_start3A_10, %dma_start3A_11] : memref<200x128xf32, #tpu.memory_space<vmem>> -> memref<72x128xf32, #tpu.memory_space<vmem>>
    %dma_start3A_13 = arith.constant 128 : i32
    %dma_start3A_14 = tpu.memref_slice %arg6[%dma_start3A_13] : memref<6400xi32, #tpu.memory_space<vmem>> -> memref<72xi32, #tpu.memory_space<vmem>>
    %dma_start3A_15 = arith.constant 0 : i32
    %dma_start3A_16 = arith.constant 0 : i32
    %dma_start3A_17 = tpu.memref_slice %arg2[%dma_start3A_15, %dma_start3A_16] : memref<100000x128xf32, #tpu.memory_space<hbm>> -> memref<100000x128xf32, #tpu.memory_space<hbm>>
    tpu.enqueue_indirect_dma source(%dma_start3A_17 : memref<100000x128xf32, #tpu.memory_space<hbm>>) target(%dma_start3A_12 : memref<72x128xf32, #tpu.memory_space<vmem>>) offsets(%dma_start3A_14 : memref<72xi32, #tpu.memory_space<vmem>>) semaphore(%arg13 : memref<!tpu.dma_semaphore, #tpu.memory_space<semaphore_mem>>)
    tpu.wait_dma2 semaphore(%arg21 : memref<!tpu.dma_semaphore, #tpu.memory_space<semaphore_mem>>) src(%arg3 : memref<200x128xf32, #tpu.memory_space<hbm>>) dst(%arg7 : memref<200x128xf32, #tpu.memory_space<vmem>>)
    %scan3A = arith.constant 0 : i32
    %scan3A_18 = arith.constant 17 : i32
    %scan3A_19 = arith.addi %scan3A, %scan3A_18 : i32
    %scan3A_20 = arith.constant 1 : i32
    scf.for %scan3A_37 = %scan3A to %scan3A_19 step %scan3A_20  : i32 {
      %mul3A_38 = arith.constant 2 : i32
      %mul3A_39 = arith.muli %scan3A_37, %mul3A_38 : i32
      %add3A_40 = arith.constant 0 : i32
      %add3A_41 = arith.addi %add3A_40, %mul3A_39 : i32
      %add3A_42 = arith.constant 0 : i32
      %add3A_43 = arith.addi %add3A_41, %add3A_42 : i32
      %ge3A = arith.constant 1 : i32
      %ge3A_44 = arith.cmpi sge, %add3A_43, %ge3A : i32
      %lt3A = arith.constant 33 : i32
      %lt3A_45 = arith.cmpi slt, %add3A_43, %lt3A : i32
      %and3A = arith.andi %ge3A_44, %lt3A_45 : i1
      %convert_element_type3A = arith.extui %and3A : i1 to i32
      %cond3A = arith.constant 0 : i32
      %cond3A_46 = arith.cmpi ne, %convert_element_type3A, %cond3A : i32
      scf.if %cond3A_46 {
        %dma_wait3A_81 = arith.constant 1 : i32
        %dma_wait3A_82 = arith.constant 136 : i32
        %dma_wait3A_83 = arith.constant 0 : i32
        %dma_wait3A_84 = tpu.memref_slice %arg10[%dma_wait3A_82, %dma_wait3A_83] : memref<200x128xf32, #tpu.memory_space<vmem>> -> memref<64x128xf32, #tpu.memory_space<vmem>>
        %dma_wait3A_85 = arith.constant 0 : i32
        %dma_wait3A_86 = arith.constant 0 : i32
        %dma_wait3A_87 = tpu.memref_slice %arg8[%arg1, %dma_wait3A_81, %dma_wait3A_85, %dma_wait3A_86] : memref<16x2x64x128xf32, #tpu.memory_space<vmem_shared>> -> memref<1x1x64x128xf32, #tpu.memory_space<vmem_shared>>
        %dma_wait3A_88 = tpu.memref_squeeze %dma_wait3A_87 : memref<1x1x64x128xf32, #tpu.memory_space<vmem_shared>> -> memref<64x128xf32, #tpu.memory_space<vmem_shared>>
        %dma_wait3A_89 = arith.constant 0 : i32
        %dma_wait3A_90 = arith.constant 0 : i32
        %dma_wait3A_91 = tpu.memref_slice %arg8[%arg1, %dma_wait3A_81, %dma_wait3A_89, %dma_wait3A_90] : memref<16x2x64x128xf32, #tpu.memory_space<vmem_shared>> -> memref<1x1x64x128xf32, #tpu.memory_space<vmem_shared>>
        %dma_wait3A_92 = tpu.memref_squeeze %dma_wait3A_91 : memref<1x1x64x128xf32, #tpu.memory_space<vmem_shared>> -> memref<64x128xf32, #tpu.memory_space<vmem_shared>>
        %dma_wait3A_93 = arith.constant 136 : i32
        %dma_wait3A_94 = arith.constant 0 : i32
        %dma_wait3A_95 = tpu.memref_slice %arg10[%dma_wait3A_93, %dma_wait3A_94] : memref<200x128xf32, #tpu.memory_space<vmem>> -> memref<64x128xf32, #tpu.memory_space<vmem>>
        tpu.wait_dma2 semaphore(%arg16 : memref<!tpu.dma_semaphore, #tpu.memory_space<semaphore_mem>>) src(%dma_wait3A_95 : memref<64x128xf32, #tpu.memory_space<vmem>>) dst(%dma_wait3A_92 : memref<64x128xf32, #tpu.memory_space<vmem_shared>>)
        %sub3A = arith.constant 1 : i32
        %sub3A_96 = arith.subi %add3A_43, %sub3A : i32
        %mul3A_97 = arith.constant 200 : i32
        %mul3A_98 = arith.muli %sub3A_96, %mul3A_97 : i32
        %add3A_99 = arith.addi %mul3A_2, %mul3A_98 : i32
        %add3A_100 = arith.constant 136 : i32
        %add3A_101 = arith.addi %add3A_99, %add3A_100 : i32
        %dma_start3A_102 = arith.constant 1 : i32
        %dma_start3A_103 = arith.constant 0 : i32
        %dma_start3A_104 = tpu.memref_slice %arg5[%add3A_101, %dma_start3A_103] : memref<204800x128xf32, #tpu.memory_space<hbm>> -> memref<64x128xf32, #tpu.memory_space<hbm>>
        %dma_start3A_105 = arith.constant 0 : i32
        %dma_start3A_106 = arith.constant 0 : i32
        %dma_start3A_107 = tpu.memref_slice %arg8[%arg1, %dma_start3A_102, %dma_start3A_105, %dma_start3A_106] : memref<16x2x64x128xf32, #tpu.memory_space<vmem_shared>> -> memref<1x1x64x128xf32, #tpu.memory_space<vmem_shared>>
        %dma_start3A_108 = tpu.memref_squeeze %dma_start3A_107 : memref<1x1x64x128xf32, #tpu.memory_space<vmem_shared>> -> memref<64x128xf32, #tpu.memory_space<vmem_shared>>
        tpu.enqueue_dma source(%dma_start3A_108 : memref<64x128xf32, #tpu.memory_space<vmem_shared>>) target(%dma_start3A_104 : memref<64x128xf32, #tpu.memory_space<hbm>>) target_semaphore(%arg20 : memref<!tpu.dma_semaphore, #tpu.memory_space<semaphore_mem>>)
        %dma_wait3A_109 = arith.constant 0 : i32
        %dma_wait3A_110 = arith.constant 0 : i32
        %dma_wait3A_111 = tpu.memref_slice %arg10[%dma_wait3A_109, %dma_wait3A_110] : memref<200x128xf32, #tpu.memory_space<vmem>> -> memref<136x128xf32, #tpu.memory_space<vmem>>
        %dma_wait3A_112 = arith.constant 0 : i32
        %dma_wait3A_113 = arith.constant 0 : i32
        %dma_wait3A_114 = tpu.memref_slice %arg5[%dma_wait3A_112, %dma_wait3A_113] : memref<204800x128xf32, #tpu.memory_space<hbm>> -> memref<136x128xf32, #tpu.memory_space<hbm>>
        %dma_wait3A_115 = arith.constant 0 : i32
        %dma_wait3A_116 = arith.constant 0 : i32
        %dma_wait3A_117 = tpu.memref_slice %arg5[%dma_wait3A_115, %dma_wait3A_116] : memref<204800x128xf32, #tpu.memory_space<hbm>> -> memref<136x128xf32, #tpu.memory_space<hbm>>
        %dma_wait3A_118 = arith.constant 0 : i32
        %dma_wait3A_119 = arith.constant 0 : i32
        %dma_wait3A_120 = tpu.memref_slice %arg10[%dma_wait3A_118, %dma_wait3A_119] : memref<200x128xf32, #tpu.memory_space<vmem>> -> memref<136x128xf32, #tpu.memory_space<vmem>>
        tpu.wait_dma2 semaphore(%arg18 : memref<!tpu.dma_semaphore, #tpu.memory_space<semaphore_mem>>) src(%dma_wait3A_120 : memref<136x128xf32, #tpu.memory_space<vmem>>) dst(%dma_wait3A_117 : memref<136x128xf32, #tpu.memory_space<hbm>>)
      } else {
      }
      %add3A_47 = arith.constant 1 : i32
      %add3A_48 = arith.addi %add3A_43, %add3A_47 : i32
      %lt3A_49 = arith.constant 32 : i32
      %lt3A_50 = arith.cmpi slt, %add3A_48, %lt3A_49 : i32
      %convert_element_type3A_51 = arith.extui %lt3A_50 : i1 to i32
      %cond3A_52 = arith.constant 0 : i32
      %cond3A_53 = arith.cmpi ne, %convert_element_type3A_51, %cond3A_52 : i32
      scf.if %cond3A_53 {
        %add3A_81 = arith.constant 1 : i32
        %add3A_82 = arith.addi %add3A_43, %add3A_81 : i32
        %mul3A_83 = arith.constant 200 : i32
        %mul3A_84 = arith.muli %add3A_82, %mul3A_83 : i32
        %dma_start3A_85 = arith.constant 0 : i32
        %dma_start3A_86 = arith.constant 0 : i32
        %dma_start3A_87 = tpu.memref_slice %arg10[%dma_start3A_85, %dma_start3A_86] : memref<200x128xf32, #tpu.memory_space<vmem>> -> memref<128x128xf32, #tpu.memory_space<vmem>>
        %dma_start3A_88 = tpu.memref_slice %arg6[%mul3A_84] : memref<6400xi32, #tpu.memory_space<vmem>> -> memref<128xi32, #tpu.memory_space<vmem>>
        %dma_start3A_89 = arith.constant 0 : i32
        %dma_start3A_90 = arith.constant 0 : i32
        %dma_start3A_91 = tpu.memref_slice %arg2[%dma_start3A_89, %dma_start3A_90] : memref<100000x128xf32, #tpu.memory_space<hbm>> -> memref<100000x128xf32, #tpu.memory_space<hbm>>
        tpu.enqueue_indirect_dma source(%dma_start3A_91 : memref<100000x128xf32, #tpu.memory_space<hbm>>) target(%dma_start3A_87 : memref<128x128xf32, #tpu.memory_space<vmem>>) offsets(%dma_start3A_88 : memref<128xi32, #tpu.memory_space<vmem>>) semaphore(%arg12 : memref<!tpu.dma_semaphore, #tpu.memory_space<semaphore_mem>>)
        %mul3A_92 = arith.constant 200 : i32
        %mul3A_93 = arith.muli %add3A_82, %mul3A_92 : i32
        %add3A_94 = arith.constant 128 : i32
        %add3A_95 = arith.addi %mul3A_93, %add3A_94 : i32
        %dma_start3A_96 = arith.constant 128 : i32
        %dma_start3A_97 = arith.constant 0 : i32
        %dma_start3A_98 = tpu.memref_slice %arg10[%dma_start3A_96, %dma_start3A_97] : memref<200x128xf32, #tpu.memory_space<vmem>> -> memref<72x128xf32, #tpu.memory_space<vmem>>
        %dma_start3A_99 = tpu.memref_slice %arg6[%add3A_95] : memref<6400xi32, #tpu.memory_space<vmem>> -> memref<72xi32, #tpu.memory_space<vmem>>
        %dma_start3A_100 = arith.constant 0 : i32
        %dma_start3A_101 = arith.constant 0 : i32
        %dma_start3A_102 = tpu.memref_slice %arg2[%dma_start3A_100, %dma_start3A_101] : memref<100000x128xf32, #tpu.memory_space<hbm>> -> memref<100000x128xf32, #tpu.memory_space<hbm>>
        tpu.enqueue_indirect_dma source(%dma_start3A_102 : memref<100000x128xf32, #tpu.memory_space<hbm>>) target(%dma_start3A_98 : memref<72x128xf32, #tpu.memory_space<vmem>>) offsets(%dma_start3A_99 : memref<72xi32, #tpu.memory_space<vmem>>) semaphore(%arg14 : memref<!tpu.dma_semaphore, #tpu.memory_space<semaphore_mem>>)
      } else {
      }
      %lt3A_54 = arith.constant 32 : i32
      %lt3A_55 = arith.cmpi slt, %add3A_43, %lt3A_54 : i32
      %convert_element_type3A_56 = arith.extui %lt3A_55 : i1 to i32
      %cond3A_57 = arith.constant 0 : i32
      %cond3A_58 = arith.cmpi ne, %convert_element_type3A_56, %cond3A_57 : i32
      scf.if %cond3A_58 {
        %dma_wait3A_81 = arith.constant 0 : i32
        %dma_wait3A_82 = arith.constant 0 : i32
        %dma_wait3A_83 = tpu.memref_slice %arg9[%dma_wait3A_81, %dma_wait3A_82] : memref<200x128xf32, #tpu.memory_space<vmem>> -> memref<128x128xf32, #tpu.memory_space<vmem>>
        %dma_wait3A_84 = arith.constant 0 : i32
        %dma_wait3A_85 = arith.constant 0 : i32
        %dma_wait3A_86 = tpu.memref_slice %arg2[%dma_wait3A_84, %dma_wait3A_85] : memref<100000x128xf32, #tpu.memory_space<hbm>> -> memref<128x128xf32, #tpu.memory_space<hbm>>
        %dma_wait3A_87 = arith.constant 0 : i32
        %dma_wait3A_88 = arith.constant 0 : i32
        %dma_wait3A_89 = tpu.memref_slice %arg9[%dma_wait3A_87, %dma_wait3A_88] : memref<200x128xf32, #tpu.memory_space<vmem>> -> memref<128x128xf32, #tpu.memory_space<vmem>>
        %dma_wait3A_90 = arith.constant 0 : i32
        %dma_wait3A_91 = arith.constant 0 : i32
        %dma_wait3A_92 = tpu.memref_slice %arg2[%dma_wait3A_90, %dma_wait3A_91] : memref<100000x128xf32, #tpu.memory_space<hbm>> -> memref<128x128xf32, #tpu.memory_space<hbm>>
        tpu.wait_dma2 semaphore(%arg11 : memref<!tpu.dma_semaphore, #tpu.memory_space<semaphore_mem>>) src(%dma_wait3A_92 : memref<128x128xf32, #tpu.memory_space<hbm>>) dst(%dma_wait3A_89 : memref<128x128xf32, #tpu.memory_space<vmem>>)
        %scan3A_93 = arith.constant 0 : i32
        %scan3A_94 = arith.constant 128 : i32
        %scan3A_95 = arith.addi %scan3A_93, %scan3A_94 : i32
        %scan3A_96 = arith.constant 1 : i32
        scf.for %scan3A_153 = %scan3A_93 to %scan3A_95 step %scan3A_96  : i32 {
          %mul3A_154 = arith.constant 1 : i32
          %mul3A_155 = arith.muli %scan3A_153, %mul3A_154 : i32
          %add3A_156 = arith.constant 0 : i32
          %add3A_157 = arith.addi %add3A_156, %mul3A_155 : i32
          %get3A = arith.index_cast %add3A_157 : i32 to index
          %get3A_158 = arith.constant 0 : index
          %get3A_159 = tpu.vector_load %arg7[%get3A, %get3A_158] {strides = array<i32>} : memref<200x128xf32, #tpu.memory_space<vmem>>, vector<1x16xf32>,
          %get3A_160 = vector.shape_cast %get3A_159 : vector<1x16xf32> to vector<16xf32>
          %swap3A = arith.index_cast %add3A_157 : i32 to index
          %swap3A_161 = arith.constant 0 : index
          %swap3A_162 = tpu.vector_load %arg9[%swap3A, %swap3A_161] {strides = array<i32>} : memref<200x128xf32, #tpu.memory_space<vmem>>, vector<1x16xf32>,
          %swap3A_163 = vector.shape_cast %swap3A_162 : vector<1x16xf32> to vector<16xf32>
          %swap3A_164 = vector.shape_cast %get3A_160 : vector<16xf32> to vector<1x16xf32>
          tpu.vector_store %arg9[%swap3A, %swap3A_161], %swap3A_164 {add = true, strides = array<i32>} : memref<200x128xf32, #tpu.memory_space<vmem>>, vector<1x16xf32>,
          %get3A_165 = arith.index_cast %add3A_157 : i32 to index
          %get3A_166 = arith.constant 16 : index
          %get3A_167 = tpu.vector_load %arg7[%get3A_165, %get3A_166] {strides = array<i32>} : memref<200x128xf32, #tpu.memory_space<vmem>>, vector<1x16xf32>,
          %get3A_168 = vector.shape_cast %get3A_167 : vector<1x16xf32> to vector<16xf32>
          %swap3A_169 = arith.index_cast %add3A_157 : i32 to index
          %swap3A_170 = arith.constant 16 : index
          %swap3A_171 = tpu.vector_load %arg9[%swap3A_169, %swap3A_170] {strides = array<i32>} : memref<200x128xf32, #tpu.memory_space<vmem>>, vector<1x16xf32>,
          %swap3A_172 = vector.shape_cast %swap3A_171 : vector<1x16xf32> to vector<16xf32>
          %swap3A_173 = vector.shape_cast %get3A_168 : vector<16xf32> to vector<1x16xf32>
          tpu.vector_store %arg9[%swap3A_169, %swap3A_170], %swap3A_173 {add = true, strides = array<i32>} : memref<200x128xf32, #tpu.memory_space<vmem>>, vector<1x16xf32>,
          %get3A_174 = arith.index_cast %add3A_157 : i32 to index
          %get3A_175 = arith.constant 32 : index
          %get3A_176 = tpu.vector_load %arg7[%get3A_174, %get3A_175] {strides = array<i32>} : memref<200x128xf32, #tpu.memory_space<vmem>>, vector<1x16xf32>,
          %get3A_177 = vector.shape_cast %get3A_176 : vector<1x16xf32> to vector<16xf32>
          %swap3A_178 = arith.index_cast %add3A_157 : i32 to index
          %swap3A_179 = arith.constant 32 : index
          %swap3A_180 = tpu.vector_load %arg9[%swap3A_178, %swap3A_179] {strides = array<i32>} : memref<200x128xf32, #tpu.memory_space<vmem>>, vector<1x16xf32>,
          %swap3A_181 = vector.shape_cast %swap3A_180 : vector<1x16xf32> to vector<16xf32>
          %swap3A_182 = vector.shape_cast %get3A_177 : vector<16xf32> to vector<1x16xf32>
          tpu.vector_store %arg9[%swap3A_178, %swap3A_179], %swap3A_182 {add = true, strides = array<i32>} : memref<200x128xf32, #tpu.memory_space<vmem>>, vector<1x16xf32>,
          %get3A_183 = arith.index_cast %add3A_157 : i32 to index
          %get3A_184 = arith.constant 48 : index
          %get3A_185 = tpu.vector_load %arg7[%get3A_183, %get3A_184] {strides = array<i32>} : memref<200x128xf32, #tpu.memory_space<vmem>>, vector<1x16xf32>,
          %get3A_186 = vector.shape_cast %get3A_185 : vector<1x16xf32> to vector<16xf32>
          %swap3A_187 = arith.index_cast %add3A_157 : i32 to index
          %swap3A_188 = arith.constant 48 : index
          %swap3A_189 = tpu.vector_load %arg9[%swap3A_187, %swap3A_188] {strides = array<i32>} : memref<200x128xf32, #tpu.memory_space<vmem>>, vector<1x16xf32>,
          %swap3A_190 = vector.shape_cast %swap3A_189 : vector<1x16xf32> to vector<16xf32>
          %swap3A_191 = vector.shape_cast %get3A_186 : vector<16xf32> to vector<1x16xf32>
          tpu.vector_store %arg9[%swap3A_187, %swap3A_188], %swap3A_191 {add = true, strides = array<i32>} : memref<200x128xf32, #tpu.memory_space<vmem>>, vector<1x16xf32>,
          %get3A_192 = arith.index_cast %add3A_157 : i32 to index
          %get3A_193 = arith.constant 64 : index
          %get3A_194 = tpu.vector_load %arg7[%get3A_192, %get3A_193] {strides = array<i32>} : memref<200x128xf32, #tpu.memory_space<vmem>>, vector<1x16xf32>,
          %get3A_195 = vector.shape_cast %get3A_194 : vector<1x16xf32> to vector<16xf32>
          %swap3A_196 = arith.index_cast %add3A_157 : i32 to index
          %swap3A_197 = arith.constant 64 : index
          %swap3A_198 = tpu.vector_load %arg9[%swap3A_196, %swap3A_197] {strides = array<i32>} : memref<200x128xf32, #tpu.memory_space<vmem>>, vector<1x16xf32>,
          %swap3A_199 = vector.shape_cast %swap3A_198 : vector<1x16xf32> to vector<16xf32>
          %swap3A_200 = vector.shape_cast %get3A_195 : vector<16xf32> to vector<1x16xf32>
          tpu.vector_store %arg9[%swap3A_196, %swap3A_197], %swap3A_200 {add = true, strides = array<i32>} : memref<200x128xf32, #tpu.memory_space<vmem>>, vector<1x16xf32>,
          %get3A_201 = arith.index_cast %add3A_157 : i32 to index
          %get3A_202 = arith.constant 80 : index
          %get3A_203 = tpu.vector_load %arg7[%get3A_201, %get3A_202] {strides = array<i32>} : memref<200x128xf32, #tpu.memory_space<vmem>>, vector<1x16xf32>,
          %get3A_204 = vector.shape_cast %get3A_203 : vector<1x16xf32> to vector<16xf32>
          %swap3A_205 = arith.index_cast %add3A_157 : i32 to index
          %swap3A_206 = arith.constant 80 : index
          %swap3A_207 = tpu.vector_load %arg9[%swap3A_205, %swap3A_206] {strides = array<i32>} : memref<200x128xf32, #tpu.memory_space<vmem>>, vector<1x16xf32>,
          %swap3A_208 = vector.shape_cast %swap3A_207 : vector<1x16xf32> to vector<16xf32>
          %swap3A_209 = vector.shape_cast %get3A_204 : vector<16xf32> to vector<1x16xf32>
          tpu.vector_store %arg9[%swap3A_205, %swap3A_206], %swap3A_209 {add = true, strides = array<i32>} : memref<200x128xf32, #tpu.memory_space<vmem>>, vector<1x16xf32>,
          %get3A_210 = arith.index_cast %add3A_157 : i32 to index
          %get3A_211 = arith.constant 96 : index
          %get3A_212 = tpu.vector_load %arg7[%get3A_210, %get3A_211] {strides = array<i32>} : memref<200x128xf32, #tpu.memory_space<vmem>>, vector<1x16xf32>,
          %get3A_213 = vector.shape_cast %get3A_212 : vector<1x16xf32> to vector<16xf32>
          %swap3A_214 = arith.index_cast %add3A_157 : i32 to index
          %swap3A_215 = arith.constant 96 : index
          %swap3A_216 = tpu.vector_load %arg9[%swap3A_214, %swap3A_215] {strides = array<i32>} : memref<200x128xf32, #tpu.memory_space<vmem>>, vector<1x16xf32>,
          %swap3A_217 = vector.shape_cast %swap3A_216 : vector<1x16xf32> to vector<16xf32>
          %swap3A_218 = vector.shape_cast %get3A_213 : vector<16xf32> to vector<1x16xf32>
          tpu.vector_store %arg9[%swap3A_214, %swap3A_215], %swap3A_218 {add = true, strides = array<i32>} : memref<200x128xf32, #tpu.memory_space<vmem>>, vector<1x16xf32>,
          %get3A_219 = arith.index_cast %add3A_157 : i32 to index
          %get3A_220 = arith.constant 112 : index
          %get3A_221 = tpu.vector_load %arg7[%get3A_219, %get3A_220] {strides = array<i32>} : memref<200x128xf32, #tpu.memory_space<vmem>>, vector<1x16xf32>,
          %get3A_222 = vector.shape_cast %get3A_221 : vector<1x16xf32> to vector<16xf32>
          %swap3A_223 = arith.index_cast %add3A_157 : i32 to index
          %swap3A_224 = arith.constant 112 : index
          %swap3A_225 = tpu.vector_load %arg9[%swap3A_223, %swap3A_224] {strides = array<i32>} : memref<200x128xf32, #tpu.memory_space<vmem>>, vector<1x16xf32>,
          %swap3A_226 = vector.shape_cast %swap3A_225 : vector<1x16xf32> to vector<16xf32>
          %swap3A_227 = vector.shape_cast %get3A_222 : vector<16xf32> to vector<1x16xf32>
          tpu.vector_store %arg9[%swap3A_223, %swap3A_224], %swap3A_227 {add = true, strides = array<i32>} : memref<200x128xf32, #tpu.memory_space<vmem>>, vector<1x16xf32>,
        }
        %scan3A_97 = arith.constant 128 : i32
        %dma_wait3A_98 = arith.constant 128 : i32
        %dma_wait3A_99 = arith.constant 0 : i32
        %dma_wait3A_100 = tpu.memref_slice %arg9[%dma_wait3A_98, %dma_wait3A_99] : memref<200x128xf32, #tpu.memory_space<vmem>> -> memref<72x128xf32, #tpu.memory_space<vmem>>
        %dma_wait3A_101 = arith.constant 0 : i32
        %dma_wait3A_102 = arith.constant 0 : i32
        %dma_wait3A_103 = tpu.memref_slice %arg2[%dma_wait3A_101, %dma_wait3A_102] : memref<100000x128xf32, #tpu.memory_space<hbm>> -> memref<72x128xf32, #tpu.memory_space<hbm>>
        %dma_wait3A_104 = arith.constant 128 : i32
        %dma_wait3A_105 = arith.constant 0 : i32
        %dma_wait3A_106 = tpu.memref_slice %arg9[%dma_wait3A_104, %dma_wait3A_105] : memref<200x128xf32, #tpu.memory_space<vmem>> -> memref<72x128xf32, #tpu.memory_space<vmem>>
        %dma_wait3A_107 = arith.constant 0 : i32
        %dma_wait3A_108 = arith.constant 0 : i32
        %dma_wait3A_109 = tpu.memref_slice %arg2[%dma_wait3A_107, %dma_wait3A_108] : memref<100000x128xf32, #tpu.memory_space<hbm>> -> memref<72x128xf32, #tpu.memory_space<hbm>>
        tpu.wait_dma2 semaphore(%arg13 : memref<!tpu.dma_semaphore, #tpu.memory_space<semaphore_mem>>) src(%dma_wait3A_109 : memref<72x128xf32, #tpu.memory_space<hbm>>) dst(%dma_wait3A_106 : memref<72x128xf32, #tpu.memory_space<vmem>>)
        %scan3A_110 = arith.constant 0 : i32
        %scan3A_111 = arith.constant 8 : i32
        %scan3A_112 = arith.addi %scan3A_110, %scan3A_111 : i32
        %scan3A_113 = arith.constant 1 : i32
        scf.for %scan3A_153 = %scan3A_110 to %scan3A_112 step %scan3A_113  : i32 {
          %mul3A_154 = arith.constant 1 : i32
          %mul3A_155 = arith.muli %scan3A_153, %mul3A_154 : i32
          %add3A_156 = arith.constant 128 : i32
          %add3A_157 = arith.addi %add3A_156, %mul3A_155 : i32
          %get3A = arith.index_cast %add3A_157 : i32 to index
          %get3A_158 = arith.constant 0 : index
          %get3A_159 = tpu.vector_load %arg7[%get3A, %get3A_158] {strides = array<i32>} : memref<200x128xf32, #tpu.memory_space<vmem>>, vector<1x16xf32>,
          %get3A_160 = vector.shape_cast %get3A_159 : vector<1x16xf32> to vector<16xf32>
          %swap3A = arith.index_cast %add3A_157 : i32 to index
          %swap3A_161 = arith.constant 0 : index
          %swap3A_162 = tpu.vector_load %arg9[%swap3A, %swap3A_161] {strides = array<i32>} : memref<200x128xf32, #tpu.memory_space<vmem>>, vector<1x16xf32>,
          %swap3A_163 = vector.shape_cast %swap3A_162 : vector<1x16xf32> to vector<16xf32>
          %swap3A_164 = vector.shape_cast %get3A_160 : vector<16xf32> to vector<1x16xf32>
          tpu.vector_store %arg9[%swap3A, %swap3A_161], %swap3A_164 {add = true, strides = array<i32>} : memref<200x128xf32, #tpu.memory_space<vmem>>, vector<1x16xf32>,
          %get3A_165 = arith.index_cast %add3A_157 : i32 to index
          %get3A_166 = arith.constant 16 : index
          %get3A_167 = tpu.vector_load %arg7[%get3A_165, %get3A_166] {strides = array<i32>} : memref<200x128xf32, #tpu.memory_space<vmem>>, vector<1x16xf32>,
          %get3A_168 = vector.shape_cast %get3A_167 : vector<1x16xf32> to vector<16xf32>
          %swap3A_169 = arith.index_cast %add3A_157 : i32 to index
          %swap3A_170 = arith.constant 16 : index
          %swap3A_171 = tpu.vector_load %arg9[%swap3A_169, %swap3A_170] {strides = array<i32>} : memref<200x128xf32, #tpu.memory_space<vmem>>, vector<1x16xf32>,
          %swap3A_172 = vector.shape_cast %swap3A_171 : vector<1x16xf32> to vector<16xf32>
          %swap3A_173 = vector.shape_cast %get3A_168 : vector<16xf32> to vector<1x16xf32>
          tpu.vector_store %arg9[%swap3A_169, %swap3A_170], %swap3A_173 {add = true, strides = array<i32>} : memref<200x128xf32, #tpu.memory_space<vmem>>, vector<1x16xf32>,
          %get3A_174 = arith.index_cast %add3A_157 : i32 to index
          %get3A_175 = arith.constant 32 : index
          %get3A_176 = tpu.vector_load %arg7[%get3A_174, %get3A_175] {strides = array<i32>} : memref<200x128xf32, #tpu.memory_space<vmem>>, vector<1x16xf32>,
          %get3A_177 = vector.shape_cast %get3A_176 : vector<1x16xf32> to vector<16xf32>
          %swap3A_178 = arith.index_cast %add3A_157 : i32 to index
          %swap3A_179 = arith.constant 32 : index
          %swap3A_180 = tpu.vector_load %arg9[%swap3A_178, %swap3A_179] {strides = array<i32>} : memref<200x128xf32, #tpu.memory_space<vmem>>, vector<1x16xf32>,
          %swap3A_181 = vector.shape_cast %swap3A_180 : vector<1x16xf32> to vector<16xf32>
          %swap3A_182 = vector.shape_cast %get3A_177 : vector<16xf32> to vector<1x16xf32>
          tpu.vector_store %arg9[%swap3A_178, %swap3A_179], %swap3A_182 {add = true, strides = array<i32>} : memref<200x128xf32, #tpu.memory_space<vmem>>, vector<1x16xf32>,
          %get3A_183 = arith.index_cast %add3A_157 : i32 to index
          %get3A_184 = arith.constant 48 : index
          %get3A_185 = tpu.vector_load %arg7[%get3A_183, %get3A_184] {strides = array<i32>} : memref<200x128xf32, #tpu.memory_space<vmem>>, vector<1x16xf32>,
          %get3A_186 = vector.shape_cast %get3A_185 : vector<1x16xf32> to vector<16xf32>
          %swap3A_187 = arith.index_cast %add3A_157 : i32 to index
          %swap3A_188 = arith.constant 48 : index
          %swap3A_189 = tpu.vector_load %arg9[%swap3A_187, %swap3A_188] {strides = array<i32>} : memref<200x128xf32, #tpu.memory_space<vmem>>, vector<1x16xf32>,
          %swap3A_190 = vector.shape_cast %swap3A_189 : vector<1x16xf32> to vector<16xf32>
          %swap3A_191 = vector.shape_cast %get3A_186 : vector<16xf32> to vector<1x16xf32>
          tpu.vector_store %arg9[%swap3A_187, %swap3A_188], %swap3A_191 {add = true, strides = array<i32>} : memref<200x128xf32, #tpu.memory_space<vmem>>, vector<1x16xf32>,
          %get3A_192 = arith.index_cast %add3A_157 : i32 to index
          %get3A_193 = arith.constant 64 : index
          %get3A_194 = tpu.vector_load %arg7[%get3A_192, %get3A_193] {strides = array<i32>} : memref<200x128xf32, #tpu.memory_space<vmem>>, vector<1x16xf32>,
          %get3A_195 = vector.shape_cast %get3A_194 : vector<1x16xf32> to vector<16xf32>
          %swap3A_196 = arith.index_cast %add3A_157 : i32 to index
          %swap3A_197 = arith.constant 64 : index
          %swap3A_198 = tpu.vector_load %arg9[%swap3A_196, %swap3A_197] {strides = array<i32>} : memref<200x128xf32, #tpu.memory_space<vmem>>, vector<1x16xf32>,
          %swap3A_199 = vector.shape_cast %swap3A_198 : vector<1x16xf32> to vector<16xf32>
          %swap3A_200 = vector.shape_cast %get3A_195 : vector<16xf32> to vector<1x16xf32>
          tpu.vector_store %arg9[%swap3A_196, %swap3A_197], %swap3A_200 {add = true, strides = array<i32>} : memref<200x128xf32, #tpu.memory_space<vmem>>, vector<1x16xf32>,
          %get3A_201 = arith.index_cast %add3A_157 : i32 to index
          %get3A_202 = arith.constant 80 : index
          %get3A_203 = tpu.vector_load %arg7[%get3A_201, %get3A_202] {strides = array<i32>} : memref<200x128xf32, #tpu.memory_space<vmem>>, vector<1x16xf32>,
          %get3A_204 = vector.shape_cast %get3A_203 : vector<1x16xf32> to vector<16xf32>
          %swap3A_205 = arith.index_cast %add3A_157 : i32 to index
          %swap3A_206 = arith.constant 80 : index
          %swap3A_207 = tpu.vector_load %arg9[%swap3A_205, %swap3A_206] {strides = array<i32>} : memref<200x128xf32, #tpu.memory_space<vmem>>, vector<1x16xf32>,
          %swap3A_208 = vector.shape_cast %swap3A_207 : vector<1x16xf32> to vector<16xf32>
          %swap3A_209 = vector.shape_cast %get3A_204 : vector<16xf32> to vector<1x16xf32>
          tpu.vector_store %arg9[%swap3A_205, %swap3A_206], %swap3A_209 {add = true, strides = array<i32>} : memref<200x128xf32, #tpu.memory_space<vmem>>, vector<1x16xf32>,
          %get3A_210 = arith.index_cast %add3A_157 : i32 to index
          %get3A_211 = arith.constant 96 : index
          %get3A_212 = tpu.vector_load %arg7[%get3A_210, %get3A_211] {strides = array<i32>} : memref<200x128xf32, #tpu.memory_space<vmem>>, vector<1x16xf32>,
          %get3A_213 = vector.shape_cast %get3A_212 : vector<1x16xf32> to vector<16xf32>
          %swap3A_214 = arith.index_cast %add3A_157 : i32 to index
          %swap3A_215 = arith.constant 96 : index
          %swap3A_216 = tpu.vector_load %arg9[%swap3A_214, %swap3A_215] {strides = array<i32>} : memref<200x128xf32, #tpu.memory_space<vmem>>, vector<1x16xf32>,
          %swap3A_217 = vector.shape_cast %swap3A_216 : vector<1x16xf32> to vector<16xf32>
          %swap3A_218 = vector.shape_cast %get3A_213 : vector<16xf32> to vector<1x16xf32>
          tpu.vector_store %arg9[%swap3A_214, %swap3A_215], %swap3A_218 {add = true, strides = array<i32>} : memref<200x128xf32, #tpu.memory_space<vmem>>, vector<1x16xf32>,
          %get3A_219 = arith.index_cast %add3A_157 : i32 to index
          %get3A_220 = arith.constant 112 : index
          %get3A_221 = tpu.vector_load %arg7[%get3A_219, %get3A_220] {strides = array<i32>} : memref<200x128xf32, #tpu.memory_space<vmem>>, vector<1x16xf32>,
          %get3A_222 = vector.shape_cast %get3A_221 : vector<1x16xf32> to vector<16xf32>
          %swap3A_223 = arith.index_cast %add3A_157 : i32 to index
          %swap3A_224 = arith.constant 112 : index
          %swap3A_225 = tpu.vector_load %arg9[%swap3A_223, %swap3A_224] {strides = array<i32>} : memref<200x128xf32, #tpu.memory_space<vmem>>, vector<1x16xf32>,
          %swap3A_226 = vector.shape_cast %swap3A_225 : vector<1x16xf32> to vector<16xf32>
          %swap3A_227 = vector.shape_cast %get3A_222 : vector<16xf32> to vector<1x16xf32>
          tpu.vector_store %arg9[%swap3A_223, %swap3A_224], %swap3A_227 {add = true, strides = array<i32>} : memref<200x128xf32, #tpu.memory_space<vmem>>, vector<1x16xf32>,
        }
        %scan3A_114 = arith.constant 8 : i32
        %mul3A_115 = arith.constant 200 : i32
        %mul3A_116 = arith.muli %add3A_43, %mul3A_115 : i32
        %add3A_117 = arith.addi %mul3A_2, %mul3A_116 : i32
        %dma_start3A_118 = arith.constant 0 : i32
        %dma_start3A_119 = arith.constant 0 : i32
        %dma_start3A_120 = tpu.memref_slice %arg9[%dma_start3A_118, %dma_start3A_119] : memref<200x128xf32, #tpu.memory_space<vmem>> -> memref<136x128xf32, #tpu.memory_space<vmem>>
        %dma_start3A_121 = arith.constant 0 : i32
        %dma_start3A_122 = tpu.memref_slice %arg5[%add3A_117, %dma_start3A_121] : memref<204800x128xf32, #tpu.memory_space<hbm>> -> memref<136x128xf32, #tpu.memory_space<hbm>>
        %dma_start3A_123 = arith.constant 0 : i32
        %dma_start3A_124 = tpu.memref_slice %arg5[%add3A_117, %dma_start3A_123] : memref<204800x128xf32, #tpu.memory_space<hbm>> -> memref<136x128xf32, #tpu.memory_space<hbm>>
        %dma_start3A_125 = arith.constant 0 : i32
        %dma_start3A_126 = arith.constant 0 : i32
        %dma_start3A_127 = tpu.memref_slice %arg9[%dma_start3A_125, %dma_start3A_126] : memref<200x128xf32, #tpu.memory_space<vmem>> -> memref<136x128xf32, #tpu.memory_space<vmem>>
        tpu.enqueue_dma source(%dma_start3A_127 : memref<136x128xf32, #tpu.memory_space<vmem>>) target(%dma_start3A_124 : memref<136x128xf32, #tpu.memory_space<hbm>>) target_semaphore(%arg17 : memref<!tpu.dma_semaphore, #tpu.memory_space<semaphore_mem>>)
        %scan3A_128 = arith.constant 0 : i32
        %scan3A_129 = arith.constant 64 : i32
        %scan3A_130 = arith.addi %scan3A_128, %scan3A_129 : i32
        %scan3A_131 = arith.constant 1 : i32
        scf.for %scan3A_153 = %scan3A_128 to %scan3A_130 step %scan3A_131  : i32 {
          %mul3A_154 = arith.constant 1 : i32
          %mul3A_155 = arith.muli %scan3A_153, %mul3A_154 : i32
          %add3A_156 = arith.constant 136 : i32
          %add3A_157 = arith.addi %add3A_156, %mul3A_155 : i32
          %get3A = arith.index_cast %add3A_157 : i32 to index
          %get3A_158 = arith.constant 0 : index
          %get3A_159 = tpu.vector_load %arg7[%get3A, %get3A_158] {strides = array<i32>} : memref<200x128xf32, #tpu.memory_space<vmem>>, vector<1x16xf32>,
          %get3A_160 = vector.shape_cast %get3A_159 : vector<1x16xf32> to vector<16xf32>
          %swap3A = arith.index_cast %add3A_157 : i32 to index
          %swap3A_161 = arith.constant 0 : index
          %swap3A_162 = tpu.vector_load %arg9[%swap3A, %swap3A_161] {strides = array<i32>} : memref<200x128xf32, #tpu.memory_space<vmem>>, vector<1x16xf32>,
          %swap3A_163 = vector.shape_cast %swap3A_162 : vector<1x16xf32> to vector<16xf32>
          %swap3A_164 = vector.shape_cast %get3A_160 : vector<16xf32> to vector<1x16xf32>
          tpu.vector_store %arg9[%swap3A, %swap3A_161], %swap3A_164 {add = true, strides = array<i32>} : memref<200x128xf32, #tpu.memory_space<vmem>>, vector<1x16xf32>,
          %get3A_165 = arith.index_cast %add3A_157 : i32 to index
          %get3A_166 = arith.constant 16 : index
          %get3A_167 = tpu.vector_load %arg7[%get3A_165, %get3A_166] {strides = array<i32>} : memref<200x128xf32, #tpu.memory_space<vmem>>, vector<1x16xf32>,
          %get3A_168 = vector.shape_cast %get3A_167 : vector<1x16xf32> to vector<16xf32>
          %swap3A_169 = arith.index_cast %add3A_157 : i32 to index
          %swap3A_170 = arith.constant 16 : index
          %swap3A_171 = tpu.vector_load %arg9[%swap3A_169, %swap3A_170] {strides = array<i32>} : memref<200x128xf32, #tpu.memory_space<vmem>>, vector<1x16xf32>,
          %swap3A_172 = vector.shape_cast %swap3A_171 : vector<1x16xf32> to vector<16xf32>
          %swap3A_173 = vector.shape_cast %get3A_168 : vector<16xf32> to vector<1x16xf32>
          tpu.vector_store %arg9[%swap3A_169, %swap3A_170], %swap3A_173 {add = true, strides = array<i32>} : memref<200x128xf32, #tpu.memory_space<vmem>>, vector<1x16xf32>,
          %get3A_174 = arith.index_cast %add3A_157 : i32 to index
          %get3A_175 = arith.constant 32 : index
          %get3A_176 = tpu.vector_load %arg7[%get3A_174, %get3A_175] {strides = array<i32>} : memref<200x128xf32, #tpu.memory_space<vmem>>, vector<1x16xf32>,
          %get3A_177 = vector.shape_cast %get3A_176 : vector<1x16xf32> to vector<16xf32>
          %swap3A_178 = arith.index_cast %add3A_157 : i32 to index
          %swap3A_179 = arith.constant 32 : index
          %swap3A_180 = tpu.vector_load %arg9[%swap3A_178, %swap3A_179] {strides = array<i32>} : memref<200x128xf32, #tpu.memory_space<vmem>>, vector<1x16xf32>,
          %swap3A_181 = vector.shape_cast %swap3A_180 : vector<1x16xf32> to vector<16xf32>
          %swap3A_182 = vector.shape_cast %get3A_177 : vector<16xf32> to vector<1x16xf32>
          tpu.vector_store %arg9[%swap3A_178, %swap3A_179], %swap3A_182 {add = true, strides = array<i32>} : memref<200x128xf32, #tpu.memory_space<vmem>>, vector<1x16xf32>,
          %get3A_183 = arith.index_cast %add3A_157 : i32 to index
          %get3A_184 = arith.constant 48 : index
          %get3A_185 = tpu.vector_load %arg7[%get3A_183, %get3A_184] {strides = array<i32>} : memref<200x128xf32, #tpu.memory_space<vmem>>, vector<1x16xf32>,
          %get3A_186 = vector.shape_cast %get3A_185 : vector<1x16xf32> to vector<16xf32>
          %swap3A_187 = arith.index_cast %add3A_157 : i32 to index
          %swap3A_188 = arith.constant 48 : index
          %swap3A_189 = tpu.vector_load %arg9[%swap3A_187, %swap3A_188] {strides = array<i32>} : memref<200x128xf32, #tpu.memory_space<vmem>>, vector<1x16xf32>,
          %swap3A_190 = vector.shape_cast %swap3A_189 : vector<1x16xf32> to vector<16xf32>
          %swap3A_191 = vector.shape_cast %get3A_186 : vector<16xf32> to vector<1x16xf32>
          tpu.vector_store %arg9[%swap3A_187, %swap3A_188], %swap3A_191 {add = true, strides = array<i32>} : memref<200x128xf32, #tpu.memory_space<vmem>>, vector<1x16xf32>,
          %get3A_192 = arith.index_cast %add3A_157 : i32 to index
          %get3A_193 = arith.constant 64 : index
          %get3A_194 = tpu.vector_load %arg7[%get3A_192, %get3A_193] {strides = array<i32>} : memref<200x128xf32, #tpu.memory_space<vmem>>, vector<1x16xf32>,
          %get3A_195 = vector.shape_cast %get3A_194 : vector<1x16xf32> to vector<16xf32>
          %swap3A_196 = arith.index_cast %add3A_157 : i32 to index
          %swap3A_197 = arith.constant 64 : index
          %swap3A_198 = tpu.vector_load %arg9[%swap3A_196, %swap3A_197] {strides = array<i32>} : memref<200x128xf32, #tpu.memory_space<vmem>>, vector<1x16xf32>,
          %swap3A_199 = vector.shape_cast %swap3A_198 : vector<1x16xf32> to vector<16xf32>
          %swap3A_200 = vector.shape_cast %get3A_195 : vector<16xf32> to vector<1x16xf32>
          tpu.vector_store %arg9[%swap3A_196, %swap3A_197], %swap3A_200 {add = true, strides = array<i32>} : memref<200x128xf32, #tpu.memory_space<vmem>>, vector<1x16xf32>,
          %get3A_201 = arith.index_cast %add3A_157 : i32 to index
          %get3A_202 = arith.constant 80 : index
          %get3A_203 = tpu.vector_load %arg7[%get3A_201, %get3A_202] {strides = array<i32>} : memref<200x128xf32, #tpu.memory_space<vmem>>, vector<1x16xf32>,
          %get3A_204 = vector.shape_cast %get3A_203 : vector<1x16xf32> to vector<16xf32>
          %swap3A_205 = arith.index_cast %add3A_157 : i32 to index
          %swap3A_206 = arith.constant 80 : index
          %swap3A_207 = tpu.vector_load %arg9[%swap3A_205, %swap3A_206] {strides = array<i32>} : memref<200x128xf32, #tpu.memory_space<vmem>>, vector<1x16xf32>,
          %swap3A_208 = vector.shape_cast %swap3A_207 : vector<1x16xf32> to vector<16xf32>
          %swap3A_209 = vector.shape_cast %get3A_204 : vector<16xf32> to vector<1x16xf32>
          tpu.vector_store %arg9[%swap3A_205, %swap3A_206], %swap3A_209 {add = true, strides = array<i32>} : memref<200x128xf32, #tpu.memory_space<vmem>>, vector<1x16xf32>,
          %get3A_210 = arith.index_cast %add3A_157 : i32 to index
          %get3A_211 = arith.constant 96 : index
          %get3A_212 = tpu.vector_load %arg7[%get3A_210, %get3A_211] {strides = array<i32>} : memref<200x128xf32, #tpu.memory_space<vmem>>, vector<1x16xf32>,
          %get3A_213 = vector.shape_cast %get3A_212 : vector<1x16xf32> to vector<16xf32>
          %swap3A_214 = arith.index_cast %add3A_157 : i32 to index
          %swap3A_215 = arith.constant 96 : index
          %swap3A_216 = tpu.vector_load %arg9[%swap3A_214, %swap3A_215] {strides = array<i32>} : memref<200x128xf32, #tpu.memory_space<vmem>>, vector<1x16xf32>,
          %swap3A_217 = vector.shape_cast %swap3A_216 : vector<1x16xf32> to vector<16xf32>
          %swap3A_218 = vector.shape_cast %get3A_213 : vector<16xf32> to vector<1x16xf32>
          tpu.vector_store %arg9[%swap3A_214, %swap3A_215], %swap3A_218 {add = true, strides = array<i32>} : memref<200x128xf32, #tpu.memory_space<vmem>>, vector<1x16xf32>,
          %get3A_219 = arith.index_cast %add3A_157 : i32 to index
          %get3A_220 = arith.constant 112 : index
          %get3A_221 = tpu.vector_load %arg7[%get3A_219, %get3A_220] {strides = array<i32>} : memref<200x128xf32, #tpu.memory_space<vmem>>, vector<1x16xf32>,
          %get3A_222 = vector.shape_cast %get3A_221 : vector<1x16xf32> to vector<16xf32>
          %swap3A_223 = arith.index_cast %add3A_157 : i32 to index
          %swap3A_224 = arith.constant 112 : index
          %swap3A_225 = tpu.vector_load %arg9[%swap3A_223, %swap3A_224] {strides = array<i32>} : memref<200x128xf32, #tpu.memory_space<vmem>>, vector<1x16xf32>,
          %swap3A_226 = vector.shape_cast %swap3A_225 : vector<1x16xf32> to vector<16xf32>
          %swap3A_227 = vector.shape_cast %get3A_222 : vector<16xf32> to vector<1x16xf32>
          tpu.vector_store %arg9[%swap3A_223, %swap3A_224], %swap3A_227 {add = true, strides = array<i32>} : memref<200x128xf32, #tpu.memory_space<vmem>>, vector<1x16xf32>,
        }
        %scan3A_132 = arith.constant 64 : i32
        %ge3A_133 = arith.constant 2 : i32
        %ge3A_134 = arith.cmpi sge, %add3A_43, %ge3A_133 : i32
        %convert_element_type3A_135 = arith.extui %ge3A_134 : i1 to i32
        %cond3A_136 = arith.constant 0 : i32
        %cond3A_137 = arith.cmpi ne, %convert_element_type3A_135, %cond3A_136 : i32
        scf.if %cond3A_137 {
          %dma_wait3A_153 = arith.constant 0 : i32
          %dma_wait3A_154 = arith.constant 0 : i32
          %dma_wait3A_155 = arith.constant 0 : i32
          %dma_wait3A_156 = tpu.memref_slice %arg5[%dma_wait3A_154, %dma_wait3A_155] : memref<204800x128xf32, #tpu.memory_space<hbm>> -> memref<64x128xf32, #tpu.memory_space<hbm>>
          %dma_wait3A_157 = arith.constant 0 : i32
          %dma_wait3A_158 = arith.constant 0 : i32
          %dma_wait3A_159 = tpu.memref_slice %arg8[%arg1, %dma_wait3A_153, %dma_wait3A_157, %dma_wait3A_158] : memref<16x2x64x128xf32, #tpu.memory_space<vmem_shared>> -> memref<1x1x64x128xf32, #tpu.memory_space<vmem_shared>>
          %dma_wait3A_160 = tpu.memref_squeeze %dma_wait3A_159 : memref<1x1x64x128xf32, #tpu.memory_space<vmem_shared>> -> memref<64x128xf32, #tpu.memory_space<vmem_shared>>
          tpu.wait_dma2 semaphore(%arg19 : memref<!tpu.dma_semaphore, #tpu.memory_space<semaphore_mem>>) src(%dma_wait3A_160 : memref<64x128xf32, #tpu.memory_space<vmem_shared>>) dst(%dma_wait3A_156 : memref<64x128xf32, #tpu.memory_space<hbm>>)
        } else {
        }
        %dma_start3A_138 = arith.constant 0 : i32
        %dma_start3A_139 = arith.constant 136 : i32
        %dma_start3A_140 = arith.constant 0 : i32
        %dma_start3A_141 = tpu.memref_slice %arg9[%dma_start3A_139, %dma_start3A_140] : memref<200x128xf32, #tpu.memory_space<vmem>> -> memref<64x128xf32, #tpu.memory_space<vmem>>
        %dma_start3A_142 = arith.constant 0 : i32
        %dma_start3A_143 = arith.constant 0 : i32
        %dma_start3A_144 = tpu.memref_slice %arg8[%arg1, %dma_start3A_138, %dma_start3A_142, %dma_start3A_143] : memref<16x2x64x128xf32, #tpu.memory_space<vmem_shared>> -> memref<1x1x64x128xf32, #tpu.memory_space<vmem_shared>>
        %dma_start3A_145 = tpu.memref_squeeze %dma_start3A_144 : memref<1x1x64x128xf32, #tpu.memory_space<vmem_shared>> -> memref<64x128xf32, #tpu.memory_space<vmem_shared>>
        %dma_start3A_146 = arith.constant 0 : i32
        %dma_start3A_147 = arith.constant 0 : i32
        %dma_start3A_148 = tpu.memref_slice %arg8[%arg1, %dma_start3A_138, %dma_start3A_146, %dma_start3A_147] : memref<16x2x64x128xf32, #tpu.memory_space<vmem_shared>> -> memref<1x1x64x128xf32, #tpu.memory_space<vmem_shared>>
        %dma_start3A_149 = tpu.memref_squeeze %dma_start3A_148 : memref<1x1x64x128xf32, #tpu.memory_space<vmem_shared>> -> memref<64x128xf32, #tpu.memory_space<vmem_shared>>
        %dma_start3A_150 = arith.constant 136 : i32
        %dma_start3A_151 = arith.constant 0 : i32
        %dma_start3A_152 = tpu.memref_slice %arg9[%dma_start3A_150, %dma_start3A_151] : memref<200x128xf32, #tpu.memory_space<vmem>> -> memref<64x128xf32, #tpu.memory_space<vmem>>
        tpu.enqueue_dma source(%dma_start3A_152 : memref<64x128xf32, #tpu.memory_space<vmem>>) target(%dma_start3A_149 : memref<64x128xf32, #tpu.memory_space<vmem_shared>>) target_semaphore(%arg15 : memref<!tpu.dma_semaphore, #tpu.memory_space<semaphore_mem>>)
      } else {
      }
      %add3A_59 = arith.constant 1 : i32
      %add3A_60 = arith.addi %add3A_41, %add3A_59 : i32
      %ge3A_61 = arith.constant 1 : i32
      %ge3A_62 = arith.cmpi sge, %add3A_60, %ge3A_61 : i32
      %lt3A_63 = arith.constant 33 : i32
      %lt3A_64 = arith.cmpi slt, %add3A_60, %lt3A_63 : i32
      %and3A_65 = arith.andi %ge3A_62, %lt3A_64 : i1
      %convert_element_type3A_66 = arith.extui %and3A_65 : i1 to i32
      %cond3A_67 = arith.constant 0 : i32
      %cond3A_68 = arith.cmpi ne, %convert_element_type3A_66, %cond3A_67 : i32
      scf.if %cond3A_68 {
        %dma_wait3A_81 = arith.constant 0 : i32
        %dma_wait3A_82 = arith.constant 136 : i32
        %dma_wait3A_83 = arith.constant 0 : i32
        %dma_wait3A_84 = tpu.memref_slice %arg9[%dma_wait3A_82, %dma_wait3A_83] : memref<200x128xf32, #tpu.memory_space<vmem>> -> memref<64x128xf32, #tpu.memory_space<vmem>>
        %dma_wait3A_85 = arith.constant 0 : i32
        %dma_wait3A_86 = arith.constant 0 : i32
        %dma_wait3A_87 = tpu.memref_slice %arg8[%arg1, %dma_wait3A_81, %dma_wait3A_85, %dma_wait3A_86] : memref<16x2x64x128xf32, #tpu.memory_space<vmem_shared>> -> memref<1x1x64x128xf32, #tpu.memory_space<vmem_shared>>
        %dma_wait3A_88 = tpu.memref_squeeze %dma_wait3A_87 : memref<1x1x64x128xf32, #tpu.memory_space<vmem_shared>> -> memref<64x128xf32, #tpu.memory_space<vmem_shared>>
        %dma_wait3A_89 = arith.constant 0 : i32
        %dma_wait3A_90 = arith.constant 0 : i32
        %dma_wait3A_91 = tpu.memref_slice %arg8[%arg1, %dma_wait3A_81, %dma_wait3A_89, %dma_wait3A_90] : memref<16x2x64x128xf32, #tpu.memory_space<vmem_shared>> -> memref<1x1x64x128xf32, #tpu.memory_space<vmem_shared>>
        %dma_wait3A_92 = tpu.memref_squeeze %dma_wait3A_91 : memref<1x1x64x128xf32, #tpu.memory_space<vmem_shared>> -> memref<64x128xf32, #tpu.memory_space<vmem_shared>>
        %dma_wait3A_93 = arith.constant 136 : i32
        %dma_wait3A_94 = arith.constant 0 : i32
        %dma_wait3A_95 = tpu.memref_slice %arg9[%dma_wait3A_93, %dma_wait3A_94] : memref<200x128xf32, #tpu.memory_space<vmem>> -> memref<64x128xf32, #tpu.memory_space<vmem>>
        tpu.wait_dma2 semaphore(%arg15 : memref<!tpu.dma_semaphore, #tpu.memory_space<semaphore_mem>>) src(%dma_wait3A_95 : memref<64x128xf32, #tpu.memory_space<vmem>>) dst(%dma_wait3A_92 : memref<64x128xf32, #tpu.memory_space<vmem_shared>>)
        %sub3A = arith.constant 1 : i32
        %sub3A_96 = arith.subi %add3A_60, %sub3A : i32
        %mul3A_97 = arith.constant 200 : i32
        %mul3A_98 = arith.muli %sub3A_96, %mul3A_97 : i32
        %add3A_99 = arith.addi %mul3A_2, %mul3A_98 : i32
        %add3A_100 = arith.constant 136 : i32
        %add3A_101 = arith.addi %add3A_99, %add3A_100 : i32
        %dma_start3A_102 = arith.constant 0 : i32
        %dma_start3A_103 = arith.constant 0 : i32
        %dma_start3A_104 = tpu.memref_slice %arg5[%add3A_101, %dma_start3A_103] : memref<204800x128xf32, #tpu.memory_space<hbm>> -> memref<64x128xf32, #tpu.memory_space<hbm>>
        %dma_start3A_105 = arith.constant 0 : i32
        %dma_start3A_106 = arith.constant 0 : i32
        %dma_start3A_107 = tpu.memref_slice %arg8[%arg1, %dma_start3A_102, %dma_start3A_105, %dma_start3A_106] : memref<16x2x64x128xf32, #tpu.memory_space<vmem_shared>> -> memref<1x1x64x128xf32, #tpu.memory_space<vmem_shared>>
        %dma_start3A_108 = tpu.memref_squeeze %dma_start3A_107 : memref<1x1x64x128xf32, #tpu.memory_space<vmem_shared>> -> memref<64x128xf32, #tpu.memory_space<vmem_shared>>
        tpu.enqueue_dma source(%dma_start3A_108 : memref<64x128xf32, #tpu.memory_space<vmem_shared>>) target(%dma_start3A_104 : memref<64x128xf32, #tpu.memory_space<hbm>>) target_semaphore(%arg19 : memref<!tpu.dma_semaphore, #tpu.memory_space<semaphore_mem>>)
        %dma_wait3A_109 = arith.constant 0 : i32
        %dma_wait3A_110 = arith.constant 0 : i32
        %dma_wait3A_111 = tpu.memref_slice %arg9[%dma_wait3A_109, %dma_wait3A_110] : memref<200x128xf32, #tpu.memory_space<vmem>> -> memref<136x128xf32, #tpu.memory_space<vmem>>
        %dma_wait3A_112 = arith.constant 0 : i32
        %dma_wait3A_113 = arith.constant 0 : i32
        %dma_wait3A_114 = tpu.memref_slice %arg5[%dma_wait3A_112, %dma_wait3A_113] : memref<204800x128xf32, #tpu.memory_space<hbm>> -> memref<136x128xf32, #tpu.memory_space<hbm>>
        %dma_wait3A_115 = arith.constant 0 : i32
        %dma_wait3A_116 = arith.constant 0 : i32
        %dma_wait3A_117 = tpu.memref_slice %arg5[%dma_wait3A_115, %dma_wait3A_116] : memref<204800x128xf32, #tpu.memory_space<hbm>> -> memref<136x128xf32, #tpu.memory_space<hbm>>
        %dma_wait3A_118 = arith.constant 0 : i32
        %dma_wait3A_119 = arith.constant 0 : i32
        %dma_wait3A_120 = tpu.memref_slice %arg9[%dma_wait3A_118, %dma_wait3A_119] : memref<200x128xf32, #tpu.memory_space<vmem>> -> memref<136x128xf32, #tpu.memory_space<vmem>>
        tpu.wait_dma2 semaphore(%arg17 : memref<!tpu.dma_semaphore, #tpu.memory_space<semaphore_mem>>) src(%dma_wait3A_120 : memref<136x128xf32, #tpu.memory_space<vmem>>) dst(%dma_wait3A_117 : memref<136x128xf32, #tpu.memory_space<hbm>>)
      } else {
      }
      %add3A_69 = arith.constant 1 : i32
      %add3A_70 = arith.addi %add3A_60, %add3A_69 : i32
      %lt3A_71 = arith.constant 32 : i32
      %lt3A_72 = arith.cmpi slt, %add3A_70, %lt3A_71 : i32
      %convert_element_type3A_73 = arith.extui %lt3A_72 : i1 to i32
      %cond3A_74 = arith.constant 0 : i32
      %cond3A_75 = arith.cmpi ne, %convert_element_type3A_73, %cond3A_74 : i32
      scf.if %cond3A_75 {
        %add3A_81 = arith.constant 1 : i32
        %add3A_82 = arith.addi %add3A_60, %add3A_81 : i32
        %mul3A_83 = arith.constant 200 : i32
        %mul3A_84 = arith.muli %add3A_82, %mul3A_83 : i32
        %dma_start3A_85 = arith.constant 0 : i32
        %dma_start3A_86 = arith.constant 0 : i32
        %dma_start3A_87 = tpu.memref_slice %arg9[%dma_start3A_85, %dma_start3A_86] : memref<200x128xf32, #tpu.memory_space<vmem>> -> memref<128x128xf32, #tpu.memory_space<vmem>>
        %dma_start3A_88 = tpu.memref_slice %arg6[%mul3A_84] : memref<6400xi32, #tpu.memory_space<vmem>> -> memref<128xi32, #tpu.memory_space<vmem>>
        %dma_start3A_89 = arith.constant 0 : i32
        %dma_start3A_90 = arith.constant 0 : i32
        %dma_start3A_91 = tpu.memref_slice %arg2[%dma_start3A_89, %dma_start3A_90] : memref<100000x128xf32, #tpu.memory_space<hbm>> -> memref<100000x128xf32, #tpu.memory_space<hbm>>
        tpu.enqueue_indirect_dma source(%dma_start3A_91 : memref<100000x128xf32, #tpu.memory_space<hbm>>) target(%dma_start3A_87 : memref<128x128xf32, #tpu.memory_space<vmem>>) offsets(%dma_start3A_88 : memref<128xi32, #tpu.memory_space<vmem>>) semaphore(%arg11 : memref<!tpu.dma_semaphore, #tpu.memory_space<semaphore_mem>>)
        %mul3A_92 = arith.constant 200 : i32
        %mul3A_93 = arith.muli %add3A_82, %mul3A_92 : i32
        %add3A_94 = arith.constant 128 : i32
        %add3A_95 = arith.addi %mul3A_93, %add3A_94 : i32
        %dma_start3A_96 = arith.constant 128 : i32
        %dma_start3A_97 = arith.constant 0 : i32
        %dma_start3A_98 = tpu.memref_slice %arg9[%dma_start3A_96, %dma_start3A_97] : memref<200x128xf32, #tpu.memory_space<vmem>> -> memref<72x128xf32, #tpu.memory_space<vmem>>
        %dma_start3A_99 = tpu.memref_slice %arg6[%add3A_95] : memref<6400xi32, #tpu.memory_space<vmem>> -> memref<72xi32, #tpu.memory_space<vmem>>
        %dma_start3A_100 = arith.constant 0 : i32
        %dma_start3A_101 = arith.constant 0 : i32
        %dma_start3A_102 = tpu.memref_slice %arg2[%dma_start3A_100, %dma_start3A_101] : memref<100000x128xf32, #tpu.memory_space<hbm>> -> memref<100000x128xf32, #tpu.memory_space<hbm>>
        tpu.enqueue_indirect_dma source(%dma_start3A_102 : memref<100000x128xf32, #tpu.memory_space<hbm>>) target(%dma_start3A_98 : memref<72x128xf32, #tpu.memory_space<vmem>>) offsets(%dma_start3A_99 : memref<72xi32, #tpu.memory_space<vmem>>) semaphore(%arg13 : memref<!tpu.dma_semaphore, #tpu.memory_space<semaphore_mem>>)
      } else {
      }
      %lt3A_76 = arith.constant 32 : i32
      %lt3A_77 = arith.cmpi slt, %add3A_60, %lt3A_76 : i32
      %convert_element_type3A_78 = arith.extui %lt3A_77 : i1 to i32
      %cond3A_79 = arith.constant 0 : i32
      %cond3A_80 = arith.cmpi ne, %convert_element_type3A_78, %cond3A_79 : i32
      scf.if %cond3A_80 {
        %dma_wait3A_81 = arith.constant 0 : i32
        %dma_wait3A_82 = arith.constant 0 : i32
        %dma_wait3A_83 = tpu.memref_slice %arg10[%dma_wait3A_81, %dma_wait3A_82] : memref<200x128xf32, #tpu.memory_space<vmem>> -> memref<128x128xf32, #tpu.memory_space<vmem>>
        %dma_wait3A_84 = arith.constant 0 : i32
        %dma_wait3A_85 = arith.constant 0 : i32
        %dma_wait3A_86 = tpu.memref_slice %arg2[%dma_wait3A_84, %dma_wait3A_85] : memref<100000x128xf32, #tpu.memory_space<hbm>> -> memref<128x128xf32, #tpu.memory_space<hbm>>
        %dma_wait3A_87 = arith.constant 0 : i32
        %dma_wait3A_88 = arith.constant 0 : i32
        %dma_wait3A_89 = tpu.memref_slice %arg10[%dma_wait3A_87, %dma_wait3A_88] : memref<200x128xf32, #tpu.memory_space<vmem>> -> memref<128x128xf32, #tpu.memory_space<vmem>>
        %dma_wait3A_90 = arith.constant 0 : i32
        %dma_wait3A_91 = arith.constant 0 : i32
        %dma_wait3A_92 = tpu.memref_slice %arg2[%dma_wait3A_90, %dma_wait3A_91] : memref<100000x128xf32, #tpu.memory_space<hbm>> -> memref<128x128xf32, #tpu.memory_space<hbm>>
        tpu.wait_dma2 semaphore(%arg12 : memref<!tpu.dma_semaphore, #tpu.memory_space<semaphore_mem>>) src(%dma_wait3A_92 : memref<128x128xf32, #tpu.memory_space<hbm>>) dst(%dma_wait3A_89 : memref<128x128xf32, #tpu.memory_space<vmem>>)
        %scan3A_93 = arith.constant 0 : i32
        %scan3A_94 = arith.constant 128 : i32
        %scan3A_95 = arith.addi %scan3A_93, %scan3A_94 : i32
        %scan3A_96 = arith.constant 1 : i32
        scf.for %scan3A_153 = %scan3A_93 to %scan3A_95 step %scan3A_96  : i32 {
          %mul3A_154 = arith.constant 1 : i32
          %mul3A_155 = arith.muli %scan3A_153, %mul3A_154 : i32
          %add3A_156 = arith.constant 0 : i32
          %add3A_157 = arith.addi %add3A_156, %mul3A_155 : i32
          %get3A = arith.index_cast %add3A_157 : i32 to index
          %get3A_158 = arith.constant 0 : index
          %get3A_159 = tpu.vector_load %arg7[%get3A, %get3A_158] {strides = array<i32>} : memref<200x128xf32, #tpu.memory_space<vmem>>, vector<1x16xf32>,
          %get3A_160 = vector.shape_cast %get3A_159 : vector<1x16xf32> to vector<16xf32>
          %swap3A = arith.index_cast %add3A_157 : i32 to index
          %swap3A_161 = arith.constant 0 : index
          %swap3A_162 = tpu.vector_load %arg10[%swap3A, %swap3A_161] {strides = array<i32>} : memref<200x128xf32, #tpu.memory_space<vmem>>, vector<1x16xf32>,
          %swap3A_163 = vector.shape_cast %swap3A_162 : vector<1x16xf32> to vector<16xf32>
          %swap3A_164 = vector.shape_cast %get3A_160 : vector<16xf32> to vector<1x16xf32>
          tpu.vector_store %arg10[%swap3A, %swap3A_161], %swap3A_164 {add = true, strides = array<i32>} : memref<200x128xf32, #tpu.memory_space<vmem>>, vector<1x16xf32>,
          %get3A_165 = arith.index_cast %add3A_157 : i32 to index
          %get3A_166 = arith.constant 16 : index
          %get3A_167 = tpu.vector_load %arg7[%get3A_165, %get3A_166] {strides = array<i32>} : memref<200x128xf32, #tpu.memory_space<vmem>>, vector<1x16xf32>,
          %get3A_168 = vector.shape_cast %get3A_167 : vector<1x16xf32> to vector<16xf32>
          %swap3A_169 = arith.index_cast %add3A_157 : i32 to index
          %swap3A_170 = arith.constant 16 : index
          %swap3A_171 = tpu.vector_load %arg10[%swap3A_169, %swap3A_170] {strides = array<i32>} : memref<200x128xf32, #tpu.memory_space<vmem>>, vector<1x16xf32>,
          %swap3A_172 = vector.shape_cast %swap3A_171 : vector<1x16xf32> to vector<16xf32>
          %swap3A_173 = vector.shape_cast %get3A_168 : vector<16xf32> to vector<1x16xf32>
          tpu.vector_store %arg10[%swap3A_169, %swap3A_170], %swap3A_173 {add = true, strides = array<i32>} : memref<200x128xf32, #tpu.memory_space<vmem>>, vector<1x16xf32>,
          %get3A_174 = arith.index_cast %add3A_157 : i32 to index
          %get3A_175 = arith.constant 32 : index
          %get3A_176 = tpu.vector_load %arg7[%get3A_174, %get3A_175] {strides = array<i32>} : memref<200x128xf32, #tpu.memory_space<vmem>>, vector<1x16xf32>,
          %get3A_177 = vector.shape_cast %get3A_176 : vector<1x16xf32> to vector<16xf32>
          %swap3A_178 = arith.index_cast %add3A_157 : i32 to index
          %swap3A_179 = arith.constant 32 : index
          %swap3A_180 = tpu.vector_load %arg10[%swap3A_178, %swap3A_179] {strides = array<i32>} : memref<200x128xf32, #tpu.memory_space<vmem>>, vector<1x16xf32>,
          %swap3A_181 = vector.shape_cast %swap3A_180 : vector<1x16xf32> to vector<16xf32>
          %swap3A_182 = vector.shape_cast %get3A_177 : vector<16xf32> to vector<1x16xf32>
          tpu.vector_store %arg10[%swap3A_178, %swap3A_179], %swap3A_182 {add = true, strides = array<i32>} : memref<200x128xf32, #tpu.memory_space<vmem>>, vector<1x16xf32>,
          %get3A_183 = arith.index_cast %add3A_157 : i32 to index
          %get3A_184 = arith.constant 48 : index
          %get3A_185 = tpu.vector_load %arg7[%get3A_183, %get3A_184] {strides = array<i32>} : memref<200x128xf32, #tpu.memory_space<vmem>>, vector<1x16xf32>,
          %get3A_186 = vector.shape_cast %get3A_185 : vector<1x16xf32> to vector<16xf32>
          %swap3A_187 = arith.index_cast %add3A_157 : i32 to index
          %swap3A_188 = arith.constant 48 : index
          %swap3A_189 = tpu.vector_load %arg10[%swap3A_187, %swap3A_188] {strides = array<i32>} : memref<200x128xf32, #tpu.memory_space<vmem>>, vector<1x16xf32>,
          %swap3A_190 = vector.shape_cast %swap3A_189 : vector<1x16xf32> to vector<16xf32>
          %swap3A_191 = vector.shape_cast %get3A_186 : vector<16xf32> to vector<1x16xf32>
          tpu.vector_store %arg10[%swap3A_187, %swap3A_188], %swap3A_191 {add = true, strides = array<i32>} : memref<200x128xf32, #tpu.memory_space<vmem>>, vector<1x16xf32>,
          %get3A_192 = arith.index_cast %add3A_157 : i32 to index
          %get3A_193 = arith.constant 64 : index
          %get3A_194 = tpu.vector_load %arg7[%get3A_192, %get3A_193] {strides = array<i32>} : memref<200x128xf32, #tpu.memory_space<vmem>>, vector<1x16xf32>,
          %get3A_195 = vector.shape_cast %get3A_194 : vector<1x16xf32> to vector<16xf32>
          %swap3A_196 = arith.index_cast %add3A_157 : i32 to index
          %swap3A_197 = arith.constant 64 : index
          %swap3A_198 = tpu.vector_load %arg10[%swap3A_196, %swap3A_197] {strides = array<i32>} : memref<200x128xf32, #tpu.memory_space<vmem>>, vector<1x16xf32>,
          %swap3A_199 = vector.shape_cast %swap3A_198 : vector<1x16xf32> to vector<16xf32>
          %swap3A_200 = vector.shape_cast %get3A_195 : vector<16xf32> to vector<1x16xf32>
          tpu.vector_store %arg10[%swap3A_196, %swap3A_197], %swap3A_200 {add = true, strides = array<i32>} : memref<200x128xf32, #tpu.memory_space<vmem>>, vector<1x16xf32>,
          %get3A_201 = arith.index_cast %add3A_157 : i32 to index
          %get3A_202 = arith.constant 80 : index
          %get3A_203 = tpu.vector_load %arg7[%get3A_201, %get3A_202] {strides = array<i32>} : memref<200x128xf32, #tpu.memory_space<vmem>>, vector<1x16xf32>,
          %get3A_204 = vector.shape_cast %get3A_203 : vector<1x16xf32> to vector<16xf32>
          %swap3A_205 = arith.index_cast %add3A_157 : i32 to index
          %swap3A_206 = arith.constant 80 : index
          %swap3A_207 = tpu.vector_load %arg10[%swap3A_205, %swap3A_206] {strides = array<i32>} : memref<200x128xf32, #tpu.memory_space<vmem>>, vector<1x16xf32>,
          %swap3A_208 = vector.shape_cast %swap3A_207 : vector<1x16xf32> to vector<16xf32>
          %swap3A_209 = vector.shape_cast %get3A_204 : vector<16xf32> to vector<1x16xf32>
          tpu.vector_store %arg10[%swap3A_205, %swap3A_206], %swap3A_209 {add = true, strides = array<i32>} : memref<200x128xf32, #tpu.memory_space<vmem>>, vector<1x16xf32>,
          %get3A_210 = arith.index_cast %add3A_157 : i32 to index
          %get3A_211 = arith.constant 96 : index
          %get3A_212 = tpu.vector_load %arg7[%get3A_210, %get3A_211] {strides = array<i32>} : memref<200x128xf32, #tpu.memory_space<vmem>>, vector<1x16xf32>,
          %get3A_213 = vector.shape_cast %get3A_212 : vector<1x16xf32> to vector<16xf32>
          %swap3A_214 = arith.index_cast %add3A_157 : i32 to index
          %swap3A_215 = arith.constant 96 : index
          %swap3A_216 = tpu.vector_load %arg10[%swap3A_214, %swap3A_215] {strides = array<i32>} : memref<200x128xf32, #tpu.memory_space<vmem>>, vector<1x16xf32>,
          %swap3A_217 = vector.shape_cast %swap3A_216 : vector<1x16xf32> to vector<16xf32>
          %swap3A_218 = vector.shape_cast %get3A_213 : vector<16xf32> to vector<1x16xf32>
          tpu.vector_store %arg10[%swap3A_214, %swap3A_215], %swap3A_218 {add = true, strides = array<i32>} : memref<200x128xf32, #tpu.memory_space<vmem>>, vector<1x16xf32>,
          %get3A_219 = arith.index_cast %add3A_157 : i32 to index
          %get3A_220 = arith.constant 112 : index
          %get3A_221 = tpu.vector_load %arg7[%get3A_219, %get3A_220] {strides = array<i32>} : memref<200x128xf32, #tpu.memory_space<vmem>>, vector<1x16xf32>,
          %get3A_222 = vector.shape_cast %get3A_221 : vector<1x16xf32> to vector<16xf32>
          %swap3A_223 = arith.index_cast %add3A_157 : i32 to index
          %swap3A_224 = arith.constant 112 : index
          %swap3A_225 = tpu.vector_load %arg10[%swap3A_223, %swap3A_224] {strides = array<i32>} : memref<200x128xf32, #tpu.memory_space<vmem>>, vector<1x16xf32>,
          %swap3A_226 = vector.shape_cast %swap3A_225 : vector<1x16xf32> to vector<16xf32>
          %swap3A_227 = vector.shape_cast %get3A_222 : vector<16xf32> to vector<1x16xf32>
          tpu.vector_store %arg10[%swap3A_223, %swap3A_224], %swap3A_227 {add = true, strides = array<i32>} : memref<200x128xf32, #tpu.memory_space<vmem>>, vector<1x16xf32>,
        }
        %scan3A_97 = arith.constant 128 : i32
        %dma_wait3A_98 = arith.constant 128 : i32
        %dma_wait3A_99 = arith.constant 0 : i32
        %dma_wait3A_100 = tpu.memref_slice %arg10[%dma_wait3A_98, %dma_wait3A_99] : memref<200x128xf32, #tpu.memory_space<vmem>> -> memref<72x128xf32, #tpu.memory_space<vmem>>
        %dma_wait3A_101 = arith.constant 0 : i32
        %dma_wait3A_102 = arith.constant 0 : i32
        %dma_wait3A_103 = tpu.memref_slice %arg2[%dma_wait3A_101, %dma_wait3A_102] : memref<100000x128xf32, #tpu.memory_space<hbm>> -> memref<72x128xf32, #tpu.memory_space<hbm>>
        %dma_wait3A_104 = arith.constant 128 : i32
        %dma_wait3A_105 = arith.constant 0 : i32
        %dma_wait3A_106 = tpu.memref_slice %arg10[%dma_wait3A_104, %dma_wait3A_105] : memref<200x128xf32, #tpu.memory_space<vmem>> -> memref<72x128xf32, #tpu.memory_space<vmem>>
        %dma_wait3A_107 = arith.constant 0 : i32
        %dma_wait3A_108 = arith.constant 0 : i32
        %dma_wait3A_109 = tpu.memref_slice %arg2[%dma_wait3A_107, %dma_wait3A_108] : memref<100000x128xf32, #tpu.memory_space<hbm>> -> memref<72x128xf32, #tpu.memory_space<hbm>>
        tpu.wait_dma2 semaphore(%arg14 : memref<!tpu.dma_semaphore, #tpu.memory_space<semaphore_mem>>) src(%dma_wait3A_109 : memref<72x128xf32, #tpu.memory_space<hbm>>) dst(%dma_wait3A_106 : memref<72x128xf32, #tpu.memory_space<vmem>>)
        %scan3A_110 = arith.constant 0 : i32
        %scan3A_111 = arith.constant 8 : i32
        %scan3A_112 = arith.addi %scan3A_110, %scan3A_111 : i32
        %scan3A_113 = arith.constant 1 : i32
        scf.for %scan3A_153 = %scan3A_110 to %scan3A_112 step %scan3A_113  : i32 {
          %mul3A_154 = arith.constant 1 : i32
          %mul3A_155 = arith.muli %scan3A_153, %mul3A_154 : i32
          %add3A_156 = arith.constant 128 : i32
          %add3A_157 = arith.addi %add3A_156, %mul3A_155 : i32
          %get3A = arith.index_cast %add3A_157 : i32 to index
          %get3A_158 = arith.constant 0 : index
          %get3A_159 = tpu.vector_load %arg7[%get3A, %get3A_158] {strides = array<i32>} : memref<200x128xf32, #tpu.memory_space<vmem>>, vector<1x16xf32>,
          %get3A_160 = vector.shape_cast %get3A_159 : vector<1x16xf32> to vector<16xf32>
          %swap3A = arith.index_cast %add3A_157 : i32 to index
          %swap3A_161 = arith.constant 0 : index
          %swap3A_162 = tpu.vector_load %arg10[%swap3A, %swap3A_161] {strides = array<i32>} : memref<200x128xf32, #tpu.memory_space<vmem>>, vector<1x16xf32>,
          %swap3A_163 = vector.shape_cast %swap3A_162 : vector<1x16xf32> to vector<16xf32>
          %swap3A_164 = vector.shape_cast %get3A_160 : vector<16xf32> to vector<1x16xf32>
          tpu.vector_store %arg10[%swap3A, %swap3A_161], %swap3A_164 {add = true, strides = array<i32>} : memref<200x128xf32, #tpu.memory_space<vmem>>, vector<1x16xf32>,
          %get3A_165 = arith.index_cast %add3A_157 : i32 to index
          %get3A_166 = arith.constant 16 : index
          %get3A_167 = tpu.vector_load %arg7[%get3A_165, %get3A_166] {strides = array<i32>} : memref<200x128xf32, #tpu.memory_space<vmem>>, vector<1x16xf32>,
          %get3A_168 = vector.shape_cast %get3A_167 : vector<1x16xf32> to vector<16xf32>
          %swap3A_169 = arith.index_cast %add3A_157 : i32 to index
          %swap3A_170 = arith.constant 16 : index
          %swap3A_171 = tpu.vector_load %arg10[%swap3A_169, %swap3A_170] {strides = array<i32>} : memref<200x128xf32, #tpu.memory_space<vmem>>, vector<1x16xf32>,
          %swap3A_172 = vector.shape_cast %swap3A_171 : vector<1x16xf32> to vector<16xf32>
          %swap3A_173 = vector.shape_cast %get3A_168 : vector<16xf32> to vector<1x16xf32>
          tpu.vector_store %arg10[%swap3A_169, %swap3A_170], %swap3A_173 {add = true, strides = array<i32>} : memref<200x128xf32, #tpu.memory_space<vmem>>, vector<1x16xf32>,
          %get3A_174 = arith.index_cast %add3A_157 : i32 to index
          %get3A_175 = arith.constant 32 : index
          %get3A_176 = tpu.vector_load %arg7[%get3A_174, %get3A_175] {strides = array<i32>} : memref<200x128xf32, #tpu.memory_space<vmem>>, vector<1x16xf32>,
          %get3A_177 = vector.shape_cast %get3A_176 : vector<1x16xf32> to vector<16xf32>
          %swap3A_178 = arith.index_cast %add3A_157 : i32 to index
          %swap3A_179 = arith.constant 32 : index
          %swap3A_180 = tpu.vector_load %arg10[%swap3A_178, %swap3A_179] {strides = array<i32>} : memref<200x128xf32, #tpu.memory_space<vmem>>, vector<1x16xf32>,
          %swap3A_181 = vector.shape_cast %swap3A_180 : vector<1x16xf32> to vector<16xf32>
          %swap3A_182 = vector.shape_cast %get3A_177 : vector<16xf32> to vector<1x16xf32>
          tpu.vector_store %arg10[%swap3A_178, %swap3A_179], %swap3A_182 {add = true, strides = array<i32>} : memref<200x128xf32, #tpu.memory_space<vmem>>, vector<1x16xf32>,
          %get3A_183 = arith.index_cast %add3A_157 : i32 to index
          %get3A_184 = arith.constant 48 : index
          %get3A_185 = tpu.vector_load %arg7[%get3A_183, %get3A_184] {strides = array<i32>} : memref<200x128xf32, #tpu.memory_space<vmem>>, vector<1x16xf32>,
          %get3A_186 = vector.shape_cast %get3A_185 : vector<1x16xf32> to vector<16xf32>
          %swap3A_187 = arith.index_cast %add3A_157 : i32 to index
          %swap3A_188 = arith.constant 48 : index
          %swap3A_189 = tpu.vector_load %arg10[%swap3A_187, %swap3A_188] {strides = array<i32>} : memref<200x128xf32, #tpu.memory_space<vmem>>, vector<1x16xf32>,
          %swap3A_190 = vector.shape_cast %swap3A_189 : vector<1x16xf32> to vector<16xf32>
          %swap3A_191 = vector.shape_cast %get3A_186 : vector<16xf32> to vector<1x16xf32>
          tpu.vector_store %arg10[%swap3A_187, %swap3A_188], %swap3A_191 {add = true, strides = array<i32>} : memref<200x128xf32, #tpu.memory_space<vmem>>, vector<1x16xf32>,
          %get3A_192 = arith.index_cast %add3A_157 : i32 to index
          %get3A_193 = arith.constant 64 : index
          %get3A_194 = tpu.vector_load %arg7[%get3A_192, %get3A_193] {strides = array<i32>} : memref<200x128xf32, #tpu.memory_space<vmem>>, vector<1x16xf32>,
          %get3A_195 = vector.shape_cast %get3A_194 : vector<1x16xf32> to vector<16xf32>
          %swap3A_196 = arith.index_cast %add3A_157 : i32 to index
          %swap3A_197 = arith.constant 64 : index
          %swap3A_198 = tpu.vector_load %arg10[%swap3A_196, %swap3A_197] {strides = array<i32>} : memref<200x128xf32, #tpu.memory_space<vmem>>, vector<1x16xf32>,
          %swap3A_199 = vector.shape_cast %swap3A_198 : vector<1x16xf32> to vector<16xf32>
          %swap3A_200 = vector.shape_cast %get3A_195 : vector<16xf32> to vector<1x16xf32>
          tpu.vector_store %arg10[%swap3A_196, %swap3A_197], %swap3A_200 {add = true, strides = array<i32>} : memref<200x128xf32, #tpu.memory_space<vmem>>, vector<1x16xf32>,
          %get3A_201 = arith.index_cast %add3A_157 : i32 to index
          %get3A_202 = arith.constant 80 : index
          %get3A_203 = tpu.vector_load %arg7[%get3A_201, %get3A_202] {strides = array<i32>} : memref<200x128xf32, #tpu.memory_space<vmem>>, vector<1x16xf32>,
          %get3A_204 = vector.shape_cast %get3A_203 : vector<1x16xf32> to vector<16xf32>
          %swap3A_205 = arith.index_cast %add3A_157 : i32 to index
          %swap3A_206 = arith.constant 80 : index
          %swap3A_207 = tpu.vector_load %arg10[%swap3A_205, %swap3A_206] {strides = array<i32>} : memref<200x128xf32, #tpu.memory_space<vmem>>, vector<1x16xf32>,
          %swap3A_208 = vector.shape_cast %swap3A_207 : vector<1x16xf32> to vector<16xf32>
          %swap3A_209 = vector.shape_cast %get3A_204 : vector<16xf32> to vector<1x16xf32>
          tpu.vector_store %arg10[%swap3A_205, %swap3A_206], %swap3A_209 {add = true, strides = array<i32>} : memref<200x128xf32, #tpu.memory_space<vmem>>, vector<1x16xf32>,
          %get3A_210 = arith.index_cast %add3A_157 : i32 to index
          %get3A_211 = arith.constant 96 : index
          %get3A_212 = tpu.vector_load %arg7[%get3A_210, %get3A_211] {strides = array<i32>} : memref<200x128xf32, #tpu.memory_space<vmem>>, vector<1x16xf32>,
          %get3A_213 = vector.shape_cast %get3A_212 : vector<1x16xf32> to vector<16xf32>
          %swap3A_214 = arith.index_cast %add3A_157 : i32 to index
          %swap3A_215 = arith.constant 96 : index
          %swap3A_216 = tpu.vector_load %arg10[%swap3A_214, %swap3A_215] {strides = array<i32>} : memref<200x128xf32, #tpu.memory_space<vmem>>, vector<1x16xf32>,
          %swap3A_217 = vector.shape_cast %swap3A_216 : vector<1x16xf32> to vector<16xf32>
          %swap3A_218 = vector.shape_cast %get3A_213 : vector<16xf32> to vector<1x16xf32>
          tpu.vector_store %arg10[%swap3A_214, %swap3A_215], %swap3A_218 {add = true, strides = array<i32>} : memref<200x128xf32, #tpu.memory_space<vmem>>, vector<1x16xf32>,
          %get3A_219 = arith.index_cast %add3A_157 : i32 to index
          %get3A_220 = arith.constant 112 : index
          %get3A_221 = tpu.vector_load %arg7[%get3A_219, %get3A_220] {strides = array<i32>} : memref<200x128xf32, #tpu.memory_space<vmem>>, vector<1x16xf32>,
          %get3A_222 = vector.shape_cast %get3A_221 : vector<1x16xf32> to vector<16xf32>
          %swap3A_223 = arith.index_cast %add3A_157 : i32 to index
          %swap3A_224 = arith.constant 112 : index
          %swap3A_225 = tpu.vector_load %arg10[%swap3A_223, %swap3A_224] {strides = array<i32>} : memref<200x128xf32, #tpu.memory_space<vmem>>, vector<1x16xf32>,
          %swap3A_226 = vector.shape_cast %swap3A_225 : vector<1x16xf32> to vector<16xf32>
          %swap3A_227 = vector.shape_cast %get3A_222 : vector<16xf32> to vector<1x16xf32>
          tpu.vector_store %arg10[%swap3A_223, %swap3A_224], %swap3A_227 {add = true, strides = array<i32>} : memref<200x128xf32, #tpu.memory_space<vmem>>, vector<1x16xf32>,
        }
        %scan3A_114 = arith.constant 8 : i32
        %mul3A_115 = arith.constant 200 : i32
        %mul3A_116 = arith.muli %add3A_60, %mul3A_115 : i32
        %add3A_117 = arith.addi %mul3A_2, %mul3A_116 : i32
        %dma_start3A_118 = arith.constant 0 : i32
        %dma_start3A_119 = arith.constant 0 : i32
        %dma_start3A_120 = tpu.memref_slice %arg10[%dma_start3A_118, %dma_start3A_119] : memref<200x128xf32, #tpu.memory_space<vmem>> -> memref<136x128xf32, #tpu.memory_space<vmem>>
        %dma_start3A_121 = arith.constant 0 : i32
        %dma_start3A_122 = tpu.memref_slice %arg5[%add3A_117, %dma_start3A_121] : memref<204800x128xf32, #tpu.memory_space<hbm>> -> memref<136x128xf32, #tpu.memory_space<hbm>>
        %dma_start3A_123 = arith.constant 0 : i32
        %dma_start3A_124 = tpu.memref_slice %arg5[%add3A_117, %dma_start3A_123] : memref<204800x128xf32, #tpu.memory_space<hbm>> -> memref<136x128xf32, #tpu.memory_space<hbm>>
        %dma_start3A_125 = arith.constant 0 : i32
        %dma_start3A_126 = arith.constant 0 : i32
        %dma_start3A_127 = tpu.memref_slice %arg10[%dma_start3A_125, %dma_start3A_126] : memref<200x128xf32, #tpu.memory_space<vmem>> -> memref<136x128xf32, #tpu.memory_space<vmem>>
        tpu.enqueue_dma source(%dma_start3A_127 : memref<136x128xf32, #tpu.memory_space<vmem>>) target(%dma_start3A_124 : memref<136x128xf32, #tpu.memory_space<hbm>>) target_semaphore(%arg18 : memref<!tpu.dma_semaphore, #tpu.memory_space<semaphore_mem>>)
        %scan3A_128 = arith.constant 0 : i32
        %scan3A_129 = arith.constant 64 : i32
        %scan3A_130 = arith.addi %scan3A_128, %scan3A_129 : i32
        %scan3A_131 = arith.constant 1 : i32
        scf.for %scan3A_153 = %scan3A_128 to %scan3A_130 step %scan3A_131  : i32 {
          %mul3A_154 = arith.constant 1 : i32
          %mul3A_155 = arith.muli %scan3A_153, %mul3A_154 : i32
          %add3A_156 = arith.constant 136 : i32
          %add3A_157 = arith.addi %add3A_156, %mul3A_155 : i32
          %get3A = arith.index_cast %add3A_157 : i32 to index
          %get3A_158 = arith.constant 0 : index
          %get3A_159 = tpu.vector_load %arg7[%get3A, %get3A_158] {strides = array<i32>} : memref<200x128xf32, #tpu.memory_space<vmem>>, vector<1x16xf32>,
          %get3A_160 = vector.shape_cast %get3A_159 : vector<1x16xf32> to vector<16xf32>
          %swap3A = arith.index_cast %add3A_157 : i32 to index
          %swap3A_161 = arith.constant 0 : index
          %swap3A_162 = tpu.vector_load %arg10[%swap3A, %swap3A_161] {strides = array<i32>} : memref<200x128xf32, #tpu.memory_space<vmem>>, vector<1x16xf32>,
          %swap3A_163 = vector.shape_cast %swap3A_162 : vector<1x16xf32> to vector<16xf32>
          %swap3A_164 = vector.shape_cast %get3A_160 : vector<16xf32> to vector<1x16xf32>
          tpu.vector_store %arg10[%swap3A, %swap3A_161], %swap3A_164 {add = true, strides = array<i32>} : memref<200x128xf32, #tpu.memory_space<vmem>>, vector<1x16xf32>,
          %get3A_165 = arith.index_cast %add3A_157 : i32 to index
          %get3A_166 = arith.constant 16 : index
          %get3A_167 = tpu.vector_load %arg7[%get3A_165, %get3A_166] {strides = array<i32>} : memref<200x128xf32, #tpu.memory_space<vmem>>, vector<1x16xf32>,
          %get3A_168 = vector.shape_cast %get3A_167 : vector<1x16xf32> to vector<16xf32>
          %swap3A_169 = arith.index_cast %add3A_157 : i32 to index
          %swap3A_170 = arith.constant 16 : index
          %swap3A_171 = tpu.vector_load %arg10[%swap3A_169, %swap3A_170] {strides = array<i32>} : memref<200x128xf32, #tpu.memory_space<vmem>>, vector<1x16xf32>,
          %swap3A_172 = vector.shape_cast %swap3A_171 : vector<1x16xf32> to vector<16xf32>
          %swap3A_173 = vector.shape_cast %get3A_168 : vector<16xf32> to vector<1x16xf32>
          tpu.vector_store %arg10[%swap3A_169, %swap3A_170], %swap3A_173 {add = true, strides = array<i32>} : memref<200x128xf32, #tpu.memory_space<vmem>>, vector<1x16xf32>,
          %get3A_174 = arith.index_cast %add3A_157 : i32 to index
          %get3A_175 = arith.constant 32 : index
          %get3A_176 = tpu.vector_load %arg7[%get3A_174, %get3A_175] {strides = array<i32>} : memref<200x128xf32, #tpu.memory_space<vmem>>, vector<1x16xf32>,
          %get3A_177 = vector.shape_cast %get3A_176 : vector<1x16xf32> to vector<16xf32>
          %swap3A_178 = arith.index_cast %add3A_157 : i32 to index
          %swap3A_179 = arith.constant 32 : index
          %swap3A_180 = tpu.vector_load %arg10[%swap3A_178, %swap3A_179] {strides = array<i32>} : memref<200x128xf32, #tpu.memory_space<vmem>>, vector<1x16xf32>,
          %swap3A_181 = vector.shape_cast %swap3A_180 : vector<1x16xf32> to vector<16xf32>
          %swap3A_182 = vector.shape_cast %get3A_177 : vector<16xf32> to vector<1x16xf32>
          tpu.vector_store %arg10[%swap3A_178, %swap3A_179], %swap3A_182 {add = true, strides = array<i32>} : memref<200x128xf32, #tpu.memory_space<vmem>>, vector<1x16xf32>,
          %get3A_183 = arith.index_cast %add3A_157 : i32 to index
          %get3A_184 = arith.constant 48 : index
          %get3A_185 = tpu.vector_load %arg7[%get3A_183, %get3A_184] {strides = array<i32>} : memref<200x128xf32, #tpu.memory_space<vmem>>, vector<1x16xf32>,
          %get3A_186 = vector.shape_cast %get3A_185 : vector<1x16xf32> to vector<16xf32>
          %swap3A_187 = arith.index_cast %add3A_157 : i32 to index
          %swap3A_188 = arith.constant 48 : index
          %swap3A_189 = tpu.vector_load %arg10[%swap3A_187, %swap3A_188] {strides = array<i32>} : memref<200x128xf32, #tpu.memory_space<vmem>>, vector<1x16xf32>,
          %swap3A_190 = vector.shape_cast %swap3A_189 : vector<1x16xf32> to vector<16xf32>
          %swap3A_191 = vector.shape_cast %get3A_186 : vector<16xf32> to vector<1x16xf32>
          tpu.vector_store %arg10[%swap3A_187, %swap3A_188], %swap3A_191 {add = true, strides = array<i32>} : memref<200x128xf32, #tpu.memory_space<vmem>>, vector<1x16xf32>,
          %get3A_192 = arith.index_cast %add3A_157 : i32 to index
          %get3A_193 = arith.constant 64 : index
          %get3A_194 = tpu.vector_load %arg7[%get3A_192, %get3A_193] {strides = array<i32>} : memref<200x128xf32, #tpu.memory_space<vmem>>, vector<1x16xf32>,
          %get3A_195 = vector.shape_cast %get3A_194 : vector<1x16xf32> to vector<16xf32>
          %swap3A_196 = arith.index_cast %add3A_157 : i32 to index
          %swap3A_197 = arith.constant 64 : index
          %swap3A_198 = tpu.vector_load %arg10[%swap3A_196, %swap3A_197] {strides = array<i32>} : memref<200x128xf32, #tpu.memory_space<vmem>>, vector<1x16xf32>,
          %swap3A_199 = vector.shape_cast %swap3A_198 : vector<1x16xf32> to vector<16xf32>
          %swap3A_200 = vector.shape_cast %get3A_195 : vector<16xf32> to vector<1x16xf32>
          tpu.vector_store %arg10[%swap3A_196, %swap3A_197], %swap3A_200 {add = true, strides = array<i32>} : memref<200x128xf32, #tpu.memory_space<vmem>>, vector<1x16xf32>,
          %get3A_201 = arith.index_cast %add3A_157 : i32 to index
          %get3A_202 = arith.constant 80 : index
          %get3A_203 = tpu.vector_load %arg7[%get3A_201, %get3A_202] {strides = array<i32>} : memref<200x128xf32, #tpu.memory_space<vmem>>, vector<1x16xf32>,
          %get3A_204 = vector.shape_cast %get3A_203 : vector<1x16xf32> to vector<16xf32>
          %swap3A_205 = arith.index_cast %add3A_157 : i32 to index
          %swap3A_206 = arith.constant 80 : index
          %swap3A_207 = tpu.vector_load %arg10[%swap3A_205, %swap3A_206] {strides = array<i32>} : memref<200x128xf32, #tpu.memory_space<vmem>>, vector<1x16xf32>,
          %swap3A_208 = vector.shape_cast %swap3A_207 : vector<1x16xf32> to vector<16xf32>
          %swap3A_209 = vector.shape_cast %get3A_204 : vector<16xf32> to vector<1x16xf32>
          tpu.vector_store %arg10[%swap3A_205, %swap3A_206], %swap3A_209 {add = true, strides = array<i32>} : memref<200x128xf32, #tpu.memory_space<vmem>>, vector<1x16xf32>,
          %get3A_210 = arith.index_cast %add3A_157 : i32 to index
          %get3A_211 = arith.constant 96 : index
          %get3A_212 = tpu.vector_load %arg7[%get3A_210, %get3A_211] {strides = array<i32>} : memref<200x128xf32, #tpu.memory_space<vmem>>, vector<1x16xf32>,
          %get3A_213 = vector.shape_cast %get3A_212 : vector<1x16xf32> to vector<16xf32>
          %swap3A_214 = arith.index_cast %add3A_157 : i32 to index
          %swap3A_215 = arith.constant 96 : index
          %swap3A_216 = tpu.vector_load %arg10[%swap3A_214, %swap3A_215] {strides = array<i32>} : memref<200x128xf32, #tpu.memory_space<vmem>>, vector<1x16xf32>,
          %swap3A_217 = vector.shape_cast %swap3A_216 : vector<1x16xf32> to vector<16xf32>
          %swap3A_218 = vector.shape_cast %get3A_213 : vector<16xf32> to vector<1x16xf32>
          tpu.vector_store %arg10[%swap3A_214, %swap3A_215], %swap3A_218 {add = true, strides = array<i32>} : memref<200x128xf32, #tpu.memory_space<vmem>>, vector<1x16xf32>,
          %get3A_219 = arith.index_cast %add3A_157 : i32 to index
          %get3A_220 = arith.constant 112 : index
          %get3A_221 = tpu.vector_load %arg7[%get3A_219, %get3A_220] {strides = array<i32>} : memref<200x128xf32, #tpu.memory_space<vmem>>, vector<1x16xf32>,
          %get3A_222 = vector.shape_cast %get3A_221 : vector<1x16xf32> to vector<16xf32>
          %swap3A_223 = arith.index_cast %add3A_157 : i32 to index
          %swap3A_224 = arith.constant 112 : index
          %swap3A_225 = tpu.vector_load %arg10[%swap3A_223, %swap3A_224] {strides = array<i32>} : memref<200x128xf32, #tpu.memory_space<vmem>>, vector<1x16xf32>,
          %swap3A_226 = vector.shape_cast %swap3A_225 : vector<1x16xf32> to vector<16xf32>
          %swap3A_227 = vector.shape_cast %get3A_222 : vector<16xf32> to vector<1x16xf32>
          tpu.vector_store %arg10[%swap3A_223, %swap3A_224], %swap3A_227 {add = true, strides = array<i32>} : memref<200x128xf32, #tpu.memory_space<vmem>>, vector<1x16xf32>,
        }
        %scan3A_132 = arith.constant 64 : i32
        %ge3A_133 = arith.constant 2 : i32
        %ge3A_134 = arith.cmpi sge, %add3A_60, %ge3A_133 : i32
        %convert_element_type3A_135 = arith.extui %ge3A_134 : i1 to i32
        %cond3A_136 = arith.constant 0 : i32
        %cond3A_137 = arith.cmpi ne, %convert_element_type3A_135, %cond3A_136 : i32
        scf.if %cond3A_137 {
          %dma_wait3A_153 = arith.constant 1 : i32
          %dma_wait3A_154 = arith.constant 0 : i32
          %dma_wait3A_155 = arith.constant 0 : i32
          %dma_wait3A_156 = tpu.memref_slice %arg5[%dma_wait3A_154, %dma_wait3A_155] : memref<204800x128xf32, #tpu.memory_space<hbm>> -> memref<64x128xf32, #tpu.memory_space<hbm>>
          %dma_wait3A_157 = arith.constant 0 : i32
          %dma_wait3A_158 = arith.constant 0 : i32
          %dma_wait3A_159 = tpu.memref_slice %arg8[%arg1, %dma_wait3A_153, %dma_wait3A_157, %dma_wait3A_158] : memref<16x2x64x128xf32, #tpu.memory_space<vmem_shared>> -> memref<1x1x64x128xf32, #tpu.memory_space<vmem_shared>>
          %dma_wait3A_160 = tpu.memref_squeeze %dma_wait3A_159 : memref<1x1x64x128xf32, #tpu.memory_space<vmem_shared>> -> memref<64x128xf32, #tpu.memory_space<vmem_shared>>
          tpu.wait_dma2 semaphore(%arg20 : memref<!tpu.dma_semaphore, #tpu.memory_space<semaphore_mem>>) src(%dma_wait3A_160 : memref<64x128xf32, #tpu.memory_space<vmem_shared>>) dst(%dma_wait3A_156 : memref<64x128xf32, #tpu.memory_space<hbm>>)
        } else {
        }
        %dma_start3A_138 = arith.constant 1 : i32
        %dma_start3A_139 = arith.constant 136 : i32
        %dma_start3A_140 = arith.constant 0 : i32
        %dma_start3A_141 = tpu.memref_slice %arg10[%dma_start3A_139, %dma_start3A_140] : memref<200x128xf32, #tpu.memory_space<vmem>> -> memref<64x128xf32, #tpu.memory_space<vmem>>
        %dma_start3A_142 = arith.constant 0 : i32
        %dma_start3A_143 = arith.constant 0 : i32
        %dma_start3A_144 = tpu.memref_slice %arg8[%arg1, %dma_start3A_138, %dma_start3A_142, %dma_start3A_143] : memref<16x2x64x128xf32, #tpu.memory_space<vmem_shared>> -> memref<1x1x64x128xf32, #tpu.memory_space<vmem_shared>>
        %dma_start3A_145 = tpu.memref_squeeze %dma_start3A_144 : memref<1x1x64x128xf32, #tpu.memory_space<vmem_shared>> -> memref<64x128xf32, #tpu.memory_space<vmem_shared>>
        %dma_start3A_146 = arith.constant 0 : i32
        %dma_start3A_147 = arith.constant 0 : i32
        %dma_start3A_148 = tpu.memref_slice %arg8[%arg1, %dma_start3A_138, %dma_start3A_146, %dma_start3A_147] : memref<16x2x64x128xf32, #tpu.memory_space<vmem_shared>> -> memref<1x1x64x128xf32, #tpu.memory_space<vmem_shared>>
        %dma_start3A_149 = tpu.memref_squeeze %dma_start3A_148 : memref<1x1x64x128xf32, #tpu.memory_space<vmem_shared>> -> memref<64x128xf32, #tpu.memory_space<vmem_shared>>
        %dma_start3A_150 = arith.constant 136 : i32
        %dma_start3A_151 = arith.constant 0 : i32
        %dma_start3A_152 = tpu.memref_slice %arg10[%dma_start3A_150, %dma_start3A_151] : memref<200x128xf32, #tpu.memory_space<vmem>> -> memref<64x128xf32, #tpu.memory_space<vmem>>
        tpu.enqueue_dma source(%dma_start3A_152 : memref<64x128xf32, #tpu.memory_space<vmem>>) target(%dma_start3A_149 : memref<64x128xf32, #tpu.memory_space<vmem_shared>>) target_semaphore(%arg16 : memref<!tpu.dma_semaphore, #tpu.memory_space<semaphore_mem>>)
      } else {
      }
    }
    %scan3A_21 = arith.constant 17 : i32
    %dma_wait3A = arith.constant 0 : i32
    %dma_wait3A_22 = arith.constant 0 : i32
    %dma_wait3A_23 = arith.constant 0 : i32
    %dma_wait3A_24 = tpu.memref_slice %arg5[%dma_wait3A_22, %dma_wait3A_23] : memref<204800x128xf32, #tpu.memory_space<hbm>> -> memref<64x128xf32, #tpu.memory_space<hbm>>
    %dma_wait3A_25 = arith.constant 0 : i32
    %dma_wait3A_26 = arith.constant 0 : i32
    %dma_wait3A_27 = tpu.memref_slice %arg8[%arg1, %dma_wait3A, %dma_wait3A_25, %dma_wait3A_26] : memref<16x2x64x128xf32, #tpu.memory_space<vmem_shared>> -> memref<1x1x64x128xf32, #tpu.memory_space<vmem_shared>>
    %dma_wait3A_28 = tpu.memref_squeeze %dma_wait3A_27 : memref<1x1x64x128xf32, #tpu.memory_space<vmem_shared>> -> memref<64x128xf32, #tpu.memory_space<vmem_shared>>
    tpu.wait_dma2 semaphore(%arg19 : memref<!tpu.dma_semaphore, #tpu.memory_space<semaphore_mem>>) src(%dma_wait3A_28 : memref<64x128xf32, #tpu.memory_space<vmem_shared>>) dst(%dma_wait3A_24 : memref<64x128xf32, #tpu.memory_space<hbm>>)
    %dma_wait3A_29 = arith.constant 1 : i32
    %dma_wait3A_30 = arith.constant 0 : i32
    %dma_wait3A_31 = arith.constant 0 : i32
    %dma_wait3A_32 = tpu.memref_slice %arg5[%dma_wait3A_30, %dma_wait3A_31] : memref<204800x128xf32, #tpu.memory_space<hbm>> -> memref<64x128xf32, #tpu.memory_space<hbm>>
    %dma_wait3A_33 = arith.constant 0 : i32
    %dma_wait3A_34 = arith.constant 0 : i32
    %dma_wait3A_35 = tpu.memref_slice %arg8[%arg1, %dma_wait3A_29, %dma_wait3A_33, %dma_wait3A_34] : memref<16x2x64x128xf32, #tpu.memory_space<vmem_shared>> -> memref<1x1x64x128xf32, #tpu.memory_space<vmem_shared>>
    %dma_wait3A_36 = tpu.memref_squeeze %dma_wait3A_35 : memref<1x1x64x128xf32, #tpu.memory_space<vmem_shared>> -> memref<64x128xf32, #tpu.memory_space<vmem_shared>>
    tpu.wait_dma2 semaphore(%arg20 : memref<!tpu.dma_semaphore, #tpu.memory_space<semaphore_mem>>) src(%dma_wait3A_36 : memref<64x128xf32, #tpu.memory_space<vmem_shared>>) dst(%dma_wait3A_32 : memref<64x128xf32, #tpu.memory_space<hbm>>)
    return
  }
}

</mosaic_0001>

<sc_bundles>
// kernel: _sc_embed.3.cloned.1.call-start
scs
__scs_entry_jumppad:
0x0: {  	(pc) =	sbr.rel $0x88, $3  }
0x1: {  	(tag) =	ssettag $0x0;
	lr =	simm.s32 $0x1  }
0x2: {  	[smem:$0x3F9E] =	sst lr;
	_ =	strace $0xD0000000  }
0x3: {  	_ = 	snop  }
0x4: {  	_ = 	snop  }
0x5: {  	_ = 	snop  }
0x6: {  	_ = 	snop  }
0x7: {  	_ = 	snop  }
__scs_overlays_trampoline_lowered:
0x8: {  	[smem:$0x3FAD] =	sst s0  }
0x9: {  	[smem:$0x3FAE] =	sst s1  }
0xa: {  	[smem:$0x3FAF] =	sst s2  }
0xb: {  	[smem:$0x3FB0] =	sst s3  }
0xc: {  	[smem:$0x3FB1] =	sst s4  }
0xd: {  	[smem:$0x3FB2] =	sst s5  }
0xe: {  	[smem:$0x3FB3] =	sst s6  }
0xf: {  	[smem:$0x3FB4] =	sst s7  }
0x10: {  	[smem:$0x3FB5] =	sst s8  }
0x11: {  	[smem:$0x3FB6] =	sst s9;
	s0 =	simm.s32 @!p0 $0x0  }
0x12: {  	s1 =	sld [smem:$0x3F9C];
	s0 =	simm.s32 @p0 $0x1  }
0x13: {  	[smem:$0x3FB7] =	sst s0;
	s0 =	simm.s32 @!p1 $0x0  }
0x14: {  	s2 =	sld [smem:$0x3F9B];
	s0 =	simm.s32 @p1 $0x1  }
0x15: {  	[smem:$0x3FB8] =	sst s0;
	s0 =	simm.s32 @!p2 $0x0  }
0x16: {  	s3 =	sld [smem:$0x3FDB];
	s0 =	simm.s32 @p2 $0x1  }
0x17: {  	s4 =	simm.s32 $0x1BF5;
	[smem:$0x3FBA] =	sst s0  }
0x18: {  	s0 =	sld [smem:$0x3F9D];
	_ =	swait.ge [sflag:s4], $0x0  }
0x19: {  	s7 =	sld [smem:$0x3F9E]  }
0x1a: {  	s8 =	sadd.s32 $0xFFFFE003, lr  }
0x1b: {  	s9 =	sadd.s32 $0xFFFFFEF7, lr;
	s5 =	simm.s32 $0xFFFFFFFF;
	p2 =	slt.u32 s8, $0xFFFFF086  }
0x1c: {  	p1 =	slt.u32 s9, $0xF7A;
	s5 =	simm.s32 @!p2 $0x0  }
0x1d: {  	s5 =	simm.s32 @p1 $0x1;
	p0 =	seq.s32 s7, s2  }
0x1e: {  	s7 =	smul.u32 @!p0 $0xF7A, s2;
	p2 =	seq.s32 @!p0 s5, $0x0  }
0x1f: {  	s9 =	smul.u32 $0xF7A, s1;
	s8 =	simm.s32 @!p0 $0x1BF5;
	p2 =	por !p2, p0  }
0x20: {  	[sflag:s8] =	ssyncset.s32 @!p0 $0xFFFFF086;
	s6 =	sadd.s32 @!p0 s3, s7;
	s7 =	simm.s32 @!p0 $0x108  }
0x21: {  	s3 =	sadd.s32 s3, s9;
	s6 =	sadd.s32 @!p0 $0x88, s6;
	s7 =	simm.s32 @p2 $0x1082  }
0x22: {  	[simem:s7], [sflag:s8] =	dma.local @!p0 [hbm:s6], $0xF7A  }
0x23: {  	s9 =	sor.u32 $0xD0000000, s2;
	s6 =	simm.s32 $0x108;
	_ =	swait.ge @!p0 [sflag:s8], $0x0  }
0x24: {  	s3 =	sadd.s32 $0x88, s3;
	s6 =	simm.s32 @!p1 $0x1082;
	[sflag:s4] =	ssyncset.s32 $0xFFFFF086  }
0x25: {  	[simem:s6], [sflag:s4] =	dma.local [hbm:s3], $0xF7A  }
0x26: {  	[smem:$0x3F9E] =	sst s1;
	(tag) =	ssettag s2;
	_ =	strace s9  }
0x27: {  	s1 =	sld [smem:$0x3FAE]  }
0x28: {  	s2 =	sld [smem:$0x3FAF]  }
0x29: {  	s4 =	sld [smem:$0x3FB1]  }
0x2a: {  	p0 =	seq.s32 s5, $0x0;
	s5 =	sld [smem:$0x3FB2]  }
0x2b: {  	s6 =	sld [smem:$0x3FB3]  }
0x2c: {  	s7 =	sld [smem:$0x3FB4]  }
0x2d: {  	s3 =	simm.s32 $0x108;
	s8 =	sld [smem:$0x3FB5]  }
0x2e: {  	s3 =	simm.s32 @!p0 $0x1082;
	s9 =	sld [smem:$0x3FB6]  }
0x2f: {  	lr =	sadd.s32 s0, s3;
	s0 =	sld [smem:$0x3FAD]  }
0x30: {  	s3 =	sld [smem:$0x3FB0]  }
0x31: {  	[smem:$0x3FB9] =	sst s10  }
0x32: {  	s10 =	sld [smem:$0x3FB7];
	_ =	sdelay $0x3  }
0x33: {  	p0 =	seq.s32 s10, $0x1;
	s10 =	sld [smem:$0x3FB9];
	_ =	sdelay $0x3  }
0x34: {  	[smem:$0x3FB9] =	sst s10  }
0x35: {  	s10 =	sld [smem:$0x3FB8];
	_ =	sdelay $0x3  }
0x36: {  	p1 =	seq.s32 s10, $0x1;
	s10 =	sld [smem:$0x3FB9];
	_ =	sdelay $0x3  }
0x37: {  	[smem:$0x3FB9] =	sst s10  }
0x38: {  	s10 =	sld [smem:$0x3FBA]  }
0x39: {  	_ = 	snop;
	(pc) =	sbr.ind lr, $3  }
0x3a: {  	_ = 	snop  }
0x3b: {  	_ = 	snop  }
0x3c: {  	p2 =	seq.s32 s10, $0x1;
	s10 =	sld [smem:$0x3FB9]  }
0x3d: {  	_ =	shalt  }
0x3e: {  	_ =	shalt  }
0x3f: {  	_ =	shalt  }
0x40: {  	_ =	shalt  }
0x41: {  	_ =	shalt  }
0x42: {  	_ =	shalt  }
0x43: {  	_ =	shalt  }
0x44: {  	_ =	shalt  }
0x45: {  	_ =	shalt  }
0x46: {  	_ =	shalt  }
0x47: {  	_ =	shalt  }
0x48: {  	_ =	shalt  }
0x49: {  	_ =	shalt  }
0x4a: {  	_ =	shalt  }
0x4b: {  	_ =	shalt  }
0x4c: {  	_ =	shalt  }
0x4d: {  	_ =	shalt  }
0x4e: {  	_ =	shalt  }
0x4f: {  	_ =	shalt  }
0x50: {  	_ =	shalt  }
0x51: {  	_ =	shalt  }
0x52: {  	_ =	shalt  }
0x53: {  	_ =	shalt  }
0x54: {  	_ =	shalt  }
0x55: {  	_ =	shalt  }
0x56: {  	_ =	shalt  }
0x57: {  	_ =	shalt  }
0x58: {  	_ =	shalt  }
0x59: {  	_ =	shalt  }
0x5a: {  	_ =	shalt  }
0x5b: {  	_ =	shalt  }
0x5c: {  	_ =	shalt  }
0x5d: {  	_ =	shalt  }
0x5e: {  	_ =	shalt  }
0x5f: {  	_ =	shalt  }
0x60: {  	_ =	shalt  }
0x61: {  	_ =	shalt  }
0x62: {  	_ =	shalt  }
0x63: {  	_ =	shalt  }
0x64: {  	_ =	shalt  }
0x65: {  	_ =	shalt  }
0x66: {  	_ =	shalt  }
0x67: {  	_ =	shalt  }
0x68: {  	_ =	shalt  }
0x69: {  	_ =	shalt  }
0x6a: {  	_ =	shalt  }
0x6b: {  	_ =	shalt  }
0x6c: {  	_ =	shalt  }
0x6d: {  	_ =	shalt  }
0x6e: {  	_ =	shalt  }
0x6f: {  	_ =	shalt  }
0x70: {  	_ =	shalt  }
0x71: {  	_ =	shalt  }
0x72: {  	_ =	shalt  }
0x73: {  	_ =	shalt  }
0x74: {  	_ =	shalt  }
0x75: {  	_ =	shalt  }
0x76: {  	_ =	shalt  }
0x77: {  	_ =	shalt  }
0x78: {  	_ =	shalt  }
0x79: {  	_ =	shalt  }
0x7a: {  	_ =	shalt  }
0x7b: {  	_ =	shalt  }
0x7c: {  	_ =	shalt  }
0x7d: {  	_ =	shalt  }
0x7e: {  	_ =	shalt  }
0x7f: {  	_ =	shalt  }
0x80: {  	_ =	shalt  }
0x81: {  	_ =	shalt  }
0x82: {  	_ =	shalt  }
0x83: {  	_ =	shalt  }
0x84: {  	_ =	shalt  }
0x85: {  	_ =	shalt  }
0x86: {  	_ =	shalt  }
0x87: {  	_ =	shalt  }
.Lfunc_end0:
.L_simem_size_0:
called_computation_lowered:
.L_overlay_start_0:
0x88: {  	s2 =	sld [smem:$0x3FD9]  }
0x89: {  	s3 =	sld [smem:$0x3FFE];
	_ =	sdelay $0x1  }
0x8a: {  	s1 =	srdreg.scid  }
0x8b: {  	s0 =	sand.u32 $0x1, s1  }
0x8c: {  	s18 =	sshll.u32 s0, $0xA;
	s2 =	sadd.s32 s3, s2  }
0x8d: {  	s2 =	sadd.s32 s2, s18  }
0x8e: {  	[smem:$0x3FC5] =	sst s2  }
0x8f: {  	_ = 	snop  }
0x90: {  	s2 =	sld [smem:$0x3FC9]  }
0x91: {  	s19 =	sld [smem:$0x3FC8]  }
0x92: {  	s4 =	sld [smem:$0x3FC7]  }
0x93: {  	s5 =	sld [smem:$0x3FD0];
	(tm) =	ssettm $0x1  }
0x94: {  	s6 =	sld [smem:$0x3FFB];
	_ =	sdelay $0x3  }
0x95: {  	_ =	strace s6  }
0x96: {  	s6 =	sld [smem:$0x3FFC];
	_ =	sdelay $0x3  }
0x97: {  	_ =	strace s6  }
0x98: {  	s6 =	sld [smem:$0x3FFD];
	_ =	sdelay $0x3  }
0x99: {  	_ =	strace s6  }
0x9a: {  	_ =	strace $0x8FFFFFFF  }
0x9b: {  	s20 =	sld [smem:$0x3FDB];
	_ =	sdelay $0x1  }
0x9c: {  	s7 =	simm.s32 $_scs_section_size  }
0x9d: {  	s8 =	simm.s32 $_size__tile_overlayer_lowered;
	s9 =	simm.s32 $_tile_overlayer_lowered  }
0x9e: {  	s23 =	simm.s32 $0x1BFF;
	s22 =	sshll.u32 s9, $0x1;
	s6 =	sadd.s32 s7, s20  }
0x9f: {  	s10 =	simm.s32 $0x0;
	s21 =	sshll.u32 s8, $0x1;
	s8 =	sadd.s32 s22, s6  }
0xa0: {  	[timem:s10], [sflag:s23] =	dma.local [hbm:s8], s21  }
0xa1: {  	_ =	swait.ge [sflag:s23], s21  }
0xa2: {  	s7 =	ssub.s32 $0x0, s21;
	[sflag:s23] =	ssyncset.done $0x0  }
0xa3: {  	[sflag:s23] =	ssyncadd.s32 s7;
	_ =	sdelay $0x1  }
0xa4: {  	s24 =	simm.s32 $0x1B8B  }
0xa5: {  	_ =	swait.ge [sflag:s24], $0x1  }
0xa6: {  	[sflag:s24] =	ssyncset.done $0x0  }
0xa7: {  	s25 =	simm.s32 $0x1B8E;
	[sflag:s24] =	ssyncadd.s32 $0xFFFFFFFF  }
0xa8: {  	s26 =	simm.s32 $execute0_lowered;
	[smem:$0x3FD2] =	sst s25  }
0xa9: {  	s7 =	sshll.u32 s26, $0x1;
	_ =	strace $0x80000046;
	[dreg:$0x1] =	wrdreg $0xFFFFFFFF  }
0xaa: {  	s28 =	simm.s32 $_size_execute0_lowered;
	s6 =	sadd.s32 s6, s7;
	[dreg:$0x0] =	wrdreg $0x0  }
0xab: {  	s7 =	sshll.u32 s28, $0x1;
	[dreg:$0x2] =	wrdreg s6  }
0xac: {  	[dreg:$0x3] =	wrdreg s7  }
0xad: {  	[dreg:$0x4] =	wrdreg $0xC0  }
0xae: {  	_ =	task [dreg:s10], $0x5FFFF  }
0xaf: {  	[dreg:$0x1] =	wrdreg $0xFFFFFFFF  }
0xb0: {  	[dreg:$0x0] =	wrdreg $0x60  }
0xb1: {  	[dreg:$0x2] =	wrdreg s19  }
0xb2: {  	[dreg:$0x3] =	wrdreg s4  }
0xb3: {  	[dreg:$0x4] =	wrdreg s2  }
0xb4: {  	[dreg:$0x5] =	wrdreg s5  }
0xb5: {  	[dreg:$0x6] =	wrdreg $0x7D000  }
0xb6: {  	[dreg:$0x7] =	wrdreg $0x9  }
0xb7: {  	_ =	task.clear_ibuf [dreg:s10], $0x8FFFF;
	_ =	strace $0x90000046  }
0xb8: {  	s29 =	simm.s32 $0x9;
	_ =	strace $0x80000048  }
0xb9: {  	_ =	swait.ge [sflag:s29], $0x1  }
0xba: {  	[sflag:s29] =	ssyncadd.s32 $0xFFFFFFFF  }
0xbb: {  	_ =	strace $0x90000048  }
0xbc: {  	_ =	sfence  }
0xbd: {  	s30 =	sld [smem:$0x0];
	_ =	sdelay $0x2  }
0xbe: {  	s31 =	sshll.u32 s1, $0xD;
	s1 =	sshrl.u32 s1, $0x2  }
0xbf: {  	s3 =	sand.u32 $0x4000, s31;
	s1 =	sadd.s32 s1, s30  }
0xc0: {  	s0 =	sor.u32 s3, s0;
	s1 =	sshll.u32 s1, $0x11  }
0xc1: {  	s0 =	sor.u32 s1, s0  }
0xc2: {  	s0 =	sadd.s32 $0x8F2B, s0  }
0xc3: {  	[sflag:s0] =	ssyncadd.remote.s32 $0x1  }
0xc4: {  	_ =	sfence.sel $0xFFFF  }
0xc5: {  	[dreg:$0x0] =	wrdreg $0xFFFFFFFF;
	(pc) =	sbr.abs _section_cstart, $3  }
0xc6: {  	[dreg:$0x1] =	wrdreg $0xFFFFFFFF  }
0xc7: {  	_ =	task.clear_ibuf [dreg:s10], $0x2FFFF;
	_ =	strace $0x9FFFFFFF  }
0xc8: {  	(tm) =	ssettm $0x7FFFFFFF  }
0xc9: {  	_ =	shalt  }
tec
execute0_lowered:
.L_overlay_start_1:
0x0: {  	(tag) =	ssettag $0x1  }
0x1: {  	s0 =	rddreg [dreg:$0x0]  }
0x2: {  	s2 =	rddreg [dreg:$0x2]  }
0x3: {  	s4 =	rddreg [dreg:$0x3]  }
0x4: {  	s3 =	srdreg.scid;
	s1 =	stileid.u32  }
0x5: {  	s7 =	rddreg [dreg:$0x4];
	s5 =	simm.s32 $0x0;
	s13 =	simm.s32 $0xC  }
0x6: {  	s15 =	simm.s32 $0x80;
	s16 =	simm.s32 $0xBD00;
	s17 =	simm.s32 $0x48  }
0x7: {  	s18 =	simm.s32 $0xFD00;
	s19 =	simm.s32 $0xB;
	s20 =	simm.s32 $0x2  }
0x8: {  	s21 =	simm.s32 $0x4;
	s22 =	simm.s32 $0x12100;
	s23 =	simm.s32 $0x16500  }
0x9: {  	s24 =	simm.s32 $0x9;
	s28 =	simm.s32 $0x1;
	s29 =	simm.s32 $0x3  }
0xa: {  	s30 =	simm.s32 $0x10100;
	s3 =	sand.u32 $0x1, s3;
	s6 =	sshll.u32 s1, $0x1  }
0xb: {  	s31 =	simm.s32 $0x0;
	[smem:$0x7FF] =	sst s5;
	s6 =	sor.u32 s3, s6  }
0xc: {  	s9 =	sshll.u32 s1, $0xE;
	s3 =	ssub.s32 $0x2, s3;
	s6 =	smul.u32 $0x1900, s6  }
.Ltmp0:
0xd: {  	s11 =	sadd.s32 $0x880, s4;
	s8 =	sshrl.u32 s3, $0x1;
	(pc) =	sbr.rel .LBB2_1-.Ltmp0, $4  }
0xe: {  	_ =	strace $0x80000047;
	s9 =	sadd.s32 s9, s7;
	s3 =	ssub.s32 s3, s8  }
0xf: {  	s10 =	sadd.s32 $0x2000, s9;
	s25 =	sshrl.u32 s6, $0x3;
	s26 =	smax.u32 s3, $0x1  }
0x10: {  	s8 =	sadd.s32 $0x1FFFF38, s6;
	s2 =	sadd.s32 s2, s25;
	[dreg:$0x7] =	wrdreg s26  }
0x11: {  	s25 =	simm.s32 $0xA;
	s26 =	simm.s32 $0x16100;
	[dreg:$0x6] =	wrdreg s2  }
.LBB2_20:
0x12: {  	_ =	swait.ge [sflag:s24], $0x400  }
0x13: {  	[sflag:s24] =	ssyncset.done $0x0  }
0x14: {  	[sflag:s24] =	ssyncadd.s32 $0xFFFFFC00  }
0x15: {  	_ =	swait.ge [sflag:s25], $0x400  }
0x16: {  	s31 =	sadd.s32 $0x1, s31;
	s2 =	rddreg [dreg:$0x7]  }
0x17: {  	p0 =	sne.s32 s31, s2  }
.Ltmp1:
0x18: {  	_ = 	snop;
	(pc) =	sbr.rel @!p0 .LBB2_21-.Ltmp1, $3  }
0x19: {  	_ =	sdelay $0x1  }
0x1a: {  	[sflag:s25] =	ssyncset.done $0x0  }
0x1b: {  	[sflag:s25] =	ssyncadd.s32 $0xFFFFFC00  }
.LBB2_1:
0x1c: {  	s2 =	rddreg [dreg:$0x6]  }
0x1d: {  	[tilespmem:s5], [sflag:$0xC] =	stream.linear.gather [hbm4b:s2+s5], $0x1900, $0x38;
	[tilespmem:$0x18500] =	vst v63  }
0x1e: {  	_ =	swait.ge [sflag:s13], $0x1900  }
0x1f: {  	[sflag:s13] =	ssyncset.done $0x0  }
0x20: {  	[sflag:s13] =	ssyncadd.s32 $0xFFFFE700  }
0x21: {  	s3 =	simm.s32 $0x1900;
	s14 =	rddreg [dreg:$0x1]  }
0x22: {  	[tilespmem:s3], [sflag:$0xB] =	stream.linear.gather [hbm4b:s14+s5], $0x6400, $0x38;
	[tilespmem:$0x18500] =	vst v63  }
0x23: {  	_ = 	snop  }
0x24: {  	[tilespmem:s16], [sflag:$0x1] =	stream.indirect.gather [hbm4b:s0+s15], $0x80, s5, s15, $0xb8;
	[tilespmem:$0x18500] =	vst v63  }
0x25: {  	_ = 	snop  }
0x26: {  	[tilespmem:s18], [sflag:$0x3] =	stream.indirect.gather [hbm4b:s0+s17], $0x80, s15, s17, $0xb8;
	[tilespmem:$0x18500] =	vst v63  }
0x27: {  	_ =	swait.ge [sflag:s19], $0x6400  }
0x28: {  	[sflag:s19] =	ssyncset.done $0x0  }
0x29: {  	s3 =	simm.s32 $0x0;
	[sflag:s19] =	ssyncadd.s32 $0xFFFF9C00  }
.LBB2_2:
0x2a: {  	s2 =	sshll.u32 s3, $0x1  }
0x2b: {  	s7 =	sadd.s32 $0xFFFFFFFE, s2  }
0x2c: {  	p1 =	sgt.u32 s7, $0x1F  }
0x2d: {  	s7 =	smul.u32 @!p1 $0x190, s3;
	_ =	sdelay $0x1  }
0x2e: {  	s14 =	simm.s32 @!p1 $0x6;
	s7 =	sadd.s32 @!p1 s7, s8  }
0x2f: {  	_ =	swait.ge @!p1 [sflag:s14], $0x2000;
	s7 =	sshll.u32 @!p1 s7, $0x7  }
0x30: {  	p0 =	seq.s32 s3, $0x10;
	[sflag:s14] =	ssyncset.done @!p1 $0x0;
	s7 =	sadd.s32 @!p1 $0x4400, s7  }
0x31: {  	[sflag:s14] =	ssyncadd.s32 @!p1 $0xFFFFE000;
	s14 =	sshll.u32 @!p1 s1, $0x6;
	s7 =	sshrl.u32 @!p1 s7, $0x3  }
0x32: {  	s12 =	sshrl.u32 @!p1 s10, $0x3;
	s14 =	sor.u32 @!p1 $0x1C0A, s14;
	s7 =	sadd.s32 @!p1 s4, s7  }
0x33: {  	[hbm:s7], [sflag:s14] =	dma.local @!p1 [spmem:s12], $0x400  }
.Ltmp2:
0x34: {  	_ = 	snop;
	(pc) =	sbr.rel @p0 .LBB2_10-.Ltmp2, $4  }
0x35: {  	s7 =	simm.s32 @!p1 $0x8  }
0x36: {  	_ =	swait.ge @!p1 [sflag:s7], $0x4400  }
0x37: {  	[sflag:s7] =	ssyncset.done @!p1 $0x0  }
0x38: {  	s2 =	sor.u32 $0x1, s2;
	[sflag:s7] =	ssyncadd.s32 @!p1 $0xFFFFBC00  }
0x39: {  	s7 =	smul.u32 $0x320, s2;
	_ =	sdelay $0x1  }
0x3a: {  	s7 =	sshra.s32 s7, $0x2  }
0x3b: {  	[tilespmem:s22], [sflag:$0x2] =	stream.indirect.gather [hbm4b:s0+s15], $0x80, s7, s15, $0xb8;
	[tilespmem:$0x18500] =	vst v63  }
0x3c: {  	s7 =	sadd.s32 $0x80, s7  }
0x3d: {  	[tilespmem:s26], [sflag:$0x4] =	stream.indirect.gather [hbm4b:s0+s17], $0x80, s7, s17, $0xb8;
	[tilespmem:$0x18500] =	vst v63  }
0x3e: {  	_ =	swait.ge [sflag:s28], $0x4000  }
0x3f: {  	[sflag:s28] =	ssyncset.done $0x0  }
0x40: {  	s14 =	simm.s32 $0x0;
	s7 =	simm.s32 $0x200;
	[sflag:s28] =	ssyncadd.s32 $0xFFFFC000  }
.LBB2_4:
0x41: {  	p1 =	sne.s32 s7, $0xFE00;
	v0 =	vld [tilespmem:s14+$0x1970]  }
0x42: {  	v1 =	vld [tilespmem:s14+$0x1900]  }
0x43: {  	v2 =	vld [tilespmem:s14+$0x1910]  }
0x44: {  	v3 =	vld [tilespmem:s14+$0x1920]  }
0x45: {  	v4 =	vld [tilespmem:s14+$0x1930]  }
0x46: {  	[tilespmem:s14+$0xBD70] =	vst.add.f32.msk $0xffff, v0  }
0x47: {  	v0 =	vld [tilespmem:s14+$0x1940]  }
0x48: {  	v5 =	vld [tilespmem:s14+$0x1950]  }
0x49: {  	v6 =	vld [tilespmem:s14+$0x1960]  }
0x4a: {  	[tilespmem:s14+$0xBD00] =	vst.add.f32.msk $0xffff, v1  }
0x4b: {  	[tilespmem:s14+$0xBD10] =	vst.add.f32.msk $0xffff, v2  }
.Ltmp3:
0x4c: {  	[tilespmem:s14+$0xBD20] =	vst.add.f32.msk $0xffff, v3;
	(pc) =	sbr.rel @p1 .LBB2_4-.Ltmp3, $4  }
0x4d: {  	[tilespmem:s14+$0xBD30] =	vst.add.f32.msk $0xffff, v4  }
0x4e: {  	[tilespmem:s14+$0xBD40] =	vst.add.f32.msk $0xffff, v0  }
0x4f: {  	[tilespmem:s14+$0xBD50] =	vst.add.f32.msk $0xffff, v5  }
0x50: {  	[tilespmem:s14+$0xBD60] =	vst.add.f32.msk $0xffff, v6;
	s14 =	sshra.s32 s7, $0x2;
	s7 =	sadd.s32 $0x200, s7  }
0x51: {  	v0 =	vld [tilespmem:s14+$0x1970]  }
0x52: {  	v1 =	vld [tilespmem:s14+$0x1900]  }
0x53: {  	v2 =	vld [tilespmem:s14+$0x1910]  }
0x54: {  	v3 =	vld [tilespmem:s14+$0x1920]  }
0x55: {  	v4 =	vld [tilespmem:s14+$0x1930]  }
0x56: {  	v63 =	vld [tilespmem:s14+$0x1940]  }
0x57: {  	v5 =	vld [tilespmem:s14+$0x1950]  }
0x58: {  	v6 =	vld [tilespmem:s14+$0x1960]  }
0x59: {  	[tilespmem:s14+$0xBD70] =	vst.add.f32.msk $0xffff, v0  }
0x5a: {  	[tilespmem:s14+$0xBD00] =	vst.add.f32.msk $0xffff, v1  }
0x5b: {  	[tilespmem:s14+$0xBD10] =	vst.add.f32.msk $0xffff, v2  }
0x5c: {  	[tilespmem:s14+$0xBD20] =	vst.add.f32.msk $0xffff, v3  }
0x5d: {  	[tilespmem:s14+$0xBD30] =	vst.add.f32.msk $0xffff, v4  }
0x5e: {  	[tilespmem:s14+$0xBD40] =	vst.add.f32.msk $0xffff, v63  }
0x5f: {  	[tilespmem:s14+$0xBD50] =	vst.add.f32.msk $0xffff, v5  }
0x60: {  	[tilespmem:s14+$0xBD60] =	vst.add.f32.msk $0xffff, v6  }
0x61: {  	_ =	swait.ge [sflag:s29], $0x2400  }
0x62: {  	[sflag:s29] =	ssyncset.done $0x0  }
0x63: {  	s7 =	simm.s32 $0x200;
	s14 =	simm.s32 $0x0;
	[sflag:s29] =	ssyncadd.s32 $0xFFFFDC00  }
.LBB2_6:
0x64: {  	p1 =	sne.s32 s7, $0xE00;
	v0 =	vld [tilespmem:s14+$0x5970]  }
0x65: {  	v1 =	vld [tilespmem:s14+$0x5900]  }
0x66: {  	v2 =	vld [tilespmem:s14+$0x5910]  }
0x67: {  	v3 =	vld [tilespmem:s14+$0x5920]  }
0x68: {  	v4 =	vld [tilespmem:s14+$0x5930]  }
0x69: {  	[tilespmem:s14+$0xFD70] =	vst.add.f32.msk $0xffff, v0  }
0x6a: {  	v0 =	vld [tilespmem:s14+$0x5940]  }
0x6b: {  	v5 =	vld [tilespmem:s14+$0x5950]  }
0x6c: {  	v6 =	vld [tilespmem:s14+$0x5960]  }
0x6d: {  	[tilespmem:s14+$0xFD00] =	vst.add.f32.msk $0xffff, v1  }
0x6e: {  	[tilespmem:s14+$0xFD10] =	vst.add.f32.msk $0xffff, v2  }
.Ltmp4:
0x6f: {  	[tilespmem:s14+$0xFD20] =	vst.add.f32.msk $0xffff, v3;
	(pc) =	sbr.rel @p1 .LBB2_6-.Ltmp4, $4  }
0x70: {  	[tilespmem:s14+$0xFD30] =	vst.add.f32.msk $0xffff, v4  }
0x71: {  	[tilespmem:s14+$0xFD40] =	vst.add.f32.msk $0xffff, v0  }
0x72: {  	[tilespmem:s14+$0xFD50] =	vst.add.f32.msk $0xffff, v5  }
0x73: {  	[tilespmem:s14+$0xFD60] =	vst.add.f32.msk $0xffff, v6;
	s14 =	sshra.s32 s7, $0x2;
	s7 =	sadd.s32 $0x200, s7  }
0x74: {  	v0 =	vld [tilespmem:s14+$0x5970]  }
0x75: {  	v1 =	vld [tilespmem:s14+$0x5900]  }
0x76: {  	v2 =	vld [tilespmem:s14+$0x5910]  }
0x77: {  	v3 =	vld [tilespmem:s14+$0x5920]  }
0x78: {  	v4 =	vld [tilespmem:s14+$0x5930]  }
0x79: {  	v63 =	vld [tilespmem:s14+$0x5940]  }
0x7a: {  	v5 =	vld [tilespmem:s14+$0x5950]  }
0x7b: {  	v6 =	vld [tilespmem:s14+$0x5960]  }
0x7c: {  	[tilespmem:s14+$0xFD70] =	vst.add.f32.msk $0xffff, v0  }
0x7d: {  	[tilespmem:s14+$0xFD00] =	vst.add.f32.msk $0xffff, v1  }
0x7e: {  	[tilespmem:s14+$0xFD10] =	vst.add.f32.msk $0xffff, v2  }
0x7f: {  	s7 =	smul.u32 $0x190, s3;
	[tilespmem:s14+$0xFD20] =	vst.add.f32.msk $0xffff, v3  }
0x80: {  	[tilespmem:s14+$0xFD30] =	vst.add.f32.msk $0xffff, v4  }
0x81: {  	s7 =	sadd.s32 s6, s7;
	[tilespmem:s14+$0xFD40] =	vst.add.f32.msk $0xffff, v63  }
0x82: {  	s7 =	sshll.u32 s7, $0x4;
	[tilespmem:s14+$0xFD50] =	vst.add.f32.msk $0xffff, v5  }
0x83: {  	s12 =	simm.s32 $0x0;
	s7 =	sadd.s32 s4, s7;
	[tilespmem:s14+$0xFD60] =	vst.add.f32.msk $0xffff, v6  }
0x84: {  	[hbm4b:s7+s12] =	stream.linear.scatter [tilespmem:s16], [sflag:$0x7], $0x4400, $0x38;
	[tilespmem:$0x18500] =	vst v63  }
0x85: {  	s14 =	simm.s32 $0x0;
	s7 =	simm.s32 $0x200  }
.LBB2_8:
0x86: {  	p1 =	sne.s32 s7, $0x7E00;
	v0 =	vld [tilespmem:s14+$0x5D70]  }
0x87: {  	v1 =	vld [tilespmem:s14+$0x5D00]  }
0x88: {  	v2 =	vld [tilespmem:s14+$0x5D10]  }
0x89: {  	v3 =	vld [tilespmem:s14+$0x5D20]  }
0x8a: {  	v4 =	vld [tilespmem:s14+$0x5D30]  }
0x8b: {  	[tilespmem:s14+$0x10170] =	vst.add.f32.msk $0xffff, v0  }
0x8c: {  	v0 =	vld [tilespmem:s14+$0x5D40]  }
0x8d: {  	v5 =	vld [tilespmem:s14+$0x5D50]  }
0x8e: {  	v6 =	vld [tilespmem:s14+$0x5D60]  }
0x8f: {  	[tilespmem:s14+$0x10100] =	vst.add.f32.msk $0xffff, v1  }
0x90: {  	[tilespmem:s14+$0x10110] =	vst.add.f32.msk $0xffff, v2  }
.Ltmp5:
0x91: {  	[tilespmem:s14+$0x10120] =	vst.add.f32.msk $0xffff, v3;
	(pc) =	sbr.rel @p1 .LBB2_8-.Ltmp5, $4  }
0x92: {  	[tilespmem:s14+$0x10130] =	vst.add.f32.msk $0xffff, v4  }
0x93: {  	[tilespmem:s14+$0x10140] =	vst.add.f32.msk $0xffff, v0  }
0x94: {  	[tilespmem:s14+$0x10150] =	vst.add.f32.msk $0xffff, v5  }
0x95: {  	[tilespmem:s14+$0x10160] =	vst.add.f32.msk $0xffff, v6;
	s14 =	sshra.s32 s7, $0x2;
	s7 =	sadd.s32 $0x200, s7  }
0x96: {  	v0 =	vld [tilespmem:s14+$0x5D70]  }
0x97: {  	v1 =	vld [tilespmem:s14+$0x5D00]  }
0x98: {  	v2 =	vld [tilespmem:s14+$0x5D10]  }
0x99: {  	v3 =	vld [tilespmem:s14+$0x5D20]  }
0x9a: {  	v4 =	vld [tilespmem:s14+$0x5D30]  }
0x9b: {  	v63 =	vld [tilespmem:s14+$0x5D40]  }
0x9c: {  	v5 =	vld [tilespmem:s14+$0x5D50]  }
0x9d: {  	v6 =	vld [tilespmem:s14+$0x5D60]  }
0x9e: {  	[tilespmem:s14+$0x10170] =	vst.add.f32.msk $0xffff, v0  }
0x9f: {  	[tilespmem:s14+$0x10100] =	vst.add.f32.msk $0xffff, v1  }
0xa0: {  	[tilespmem:s14+$0x10110] =	vst.add.f32.msk $0xffff, v2  }
0xa1: {  	[tilespmem:s14+$0x10120] =	vst.add.f32.msk $0xffff, v3  }
0xa2: {  	[tilespmem:s14+$0x10130] =	vst.add.f32.msk $0xffff, v4  }
0xa3: {  	[tilespmem:s14+$0x10140] =	vst.add.f32.msk $0xffff, v63  }
0xa4: {  	p1 =	seq.s32 s3, $0x0;
	[tilespmem:s14+$0x10150] =	vst.add.f32.msk $0xffff, v5  }
0xa5: {  	s7 =	simm.s32 @!p1 $0x9;
	[tilespmem:s14+$0x10160] =	vst.add.f32.msk $0xffff, v6  }
0xa6: {  	_ =	swait.ge @!p1 [sflag:s7], $0x400  }
0xa7: {  	[sflag:s7] =	ssyncset.done @!p1 $0x0  }
0xa8: {  	[sflag:s7] =	ssyncadd.s32 @!p1 $0xFFFFFC00  }
0xa9: {  	[spmem:s9] =	stream.linear.scatter [tilespmem:s30], [sflag:$0x5], $0x2000, $0x38;
	[tilespmem:$0x18500] =	vst v63  }
.LBB2_10:
0xaa: {  	p1 =	sgt.u32 s2, $0x20  }
0xab: {  	s7 =	simm.s32 @!p1 $0x5;
	s12 =	smul.u32 @!p1 $0x190, s3  }
0xac: {  	_ =	swait.ge @!p1 [sflag:s7], $0x2000  }
0xad: {  	p2 =	sgt.u32 s3, $0xE;
	[sflag:s7] =	ssyncset.done @!p1 $0x0;
	s12 =	sadd.s32 @!p1 s6, s12  }
0xae: {  	[sflag:s7] =	ssyncadd.s32 @!p1 $0xFFFFE000;
	s7 =	sshll.u32 @!p1 s12, $0x4;
	s12 =	sshll.u32 @!p1 s1, $0x6  }
0xaf: {  	s14 =	sshrl.u32 @!p1 s9, $0x3;
	s7 =	sadd.s32 @!p1 s7, s11;
	s12 =	sor.u32 @!p1 $0x1C09, s12  }
0xb0: {  	[hbm:s7], [sflag:s12] =	dma.local @!p1 [spmem:s14], $0x400  }
.Ltmp6:
0xb1: {  	_ = 	snop;
	(pc) =	sbr.rel @p2 .LBB2_12-.Ltmp6, $4  }
0xb2: {  	s7 =	simm.s32 @!p1 $0x7  }
0xb3: {  	_ =	swait.ge @!p1 [sflag:s7], $0x4400  }
0xb4: {  	[sflag:s7] =	ssyncset.done @!p1 $0x0  }
0xb5: {  	[sflag:s7] =	ssyncadd.s32 @!p1 $0xFFFFBC00  }
0xb6: {  	s7 =	smul.u32 $0x640, s3;
	_ =	sdelay $0x1  }
.Ltmp7:
0xb7: {  	s7 =	sshra.s32 s7, $0x2;
	(pc) =	sbr.rel .LBB2_13-.Ltmp7, $4  }
0xb8: {  	s12 =	sadd.s32 $0x190, s7  }
0xb9: {  	[tilespmem:s16], [sflag:$0x1] =	stream.indirect.gather [hbm4b:s0+s15], $0x80, s12, s15, $0xb8;
	[tilespmem:$0x18500] =	vst v63  }
0xba: {  	s7 =	sadd.s32 $0x210, s7  }
0xbb: {  	[tilespmem:s18], [sflag:$0x3] =	stream.indirect.gather [hbm4b:s0+s17], $0x80, s7, s17, $0xb8;
	[tilespmem:$0x18500] =	vst v63  }
.LBB2_12:
.Ltmp8:
0xbc: {  	(pc) =	sbr.rel @p0 .LBB2_20-.Ltmp8, $1  }
0xbd: {  	_ =	sdelay $0x3  }
.LBB2_13:
0xbe: {  	_ =	swait.ge [sflag:s20], $0x4000  }
0xbf: {  	[sflag:s20] =	ssyncset.done $0x0  }
0xc0: {  	s14 =	simm.s32 $0x0;
	s7 =	simm.s32 $0x200;
	[sflag:s20] =	ssyncadd.s32 $0xFFFFC000  }
.LBB2_14:
0xc1: {  	p0 =	sne.s32 s7, $0xFE00;
	v0 =	vld [tilespmem:s14+$0x1970]  }
0xc2: {  	v1 =	vld [tilespmem:s14+$0x1900]  }
0xc3: {  	v2 =	vld [tilespmem:s14+$0x1910]  }
0xc4: {  	v3 =	vld [tilespmem:s14+$0x1920]  }
0xc5: {  	v4 =	vld [tilespmem:s14+$0x1930]  }
0xc6: {  	[tilespmem:s14+$0x12170] =	vst.add.f32.msk $0xffff, v0  }
0xc7: {  	v0 =	vld [tilespmem:s14+$0x1940]  }
0xc8: {  	v5 =	vld [tilespmem:s14+$0x1950]  }
0xc9: {  	v6 =	vld [tilespmem:s14+$0x1960]  }
0xca: {  	[tilespmem:s14+$0x12100] =	vst.add.f32.msk $0xffff, v1  }
0xcb: {  	[tilespmem:s14+$0x12110] =	vst.add.f32.msk $0xffff, v2  }
.Ltmp9:
0xcc: {  	[tilespmem:s14+$0x12120] =	vst.add.f32.msk $0xffff, v3;
	(pc) =	sbr.rel @p0 .LBB2_14-.Ltmp9, $4  }
0xcd: {  	[tilespmem:s14+$0x12130] =	vst.add.f32.msk $0xffff, v4  }
0xce: {  	[tilespmem:s14+$0x12140] =	vst.add.f32.msk $0xffff, v0  }
0xcf: {  	[tilespmem:s14+$0x12150] =	vst.add.f32.msk $0xffff, v5  }
0xd0: {  	[tilespmem:s14+$0x12160] =	vst.add.f32.msk $0xffff, v6;
	s14 =	sshra.s32 s7, $0x2;
	s7 =	sadd.s32 $0x200, s7  }
0xd1: {  	v0 =	vld [tilespmem:s14+$0x1970]  }
0xd2: {  	v1 =	vld [tilespmem:s14+$0x1900]  }
0xd3: {  	v2 =	vld [tilespmem:s14+$0x1910]  }
0xd4: {  	v3 =	vld [tilespmem:s14+$0x1920]  }
0xd5: {  	v4 =	vld [tilespmem:s14+$0x1930]  }
0xd6: {  	v63 =	vld [tilespmem:s14+$0x1940]  }
0xd7: {  	v5 =	vld [tilespmem:s14+$0x1950]  }
0xd8: {  	v6 =	vld [tilespmem:s14+$0x1960]  }
0xd9: {  	[tilespmem:s14+$0x12170] =	vst.add.f32.msk $0xffff, v0  }
0xda: {  	[tilespmem:s14+$0x12100] =	vst.add.f32.msk $0xffff, v1  }
0xdb: {  	[tilespmem:s14+$0x12110] =	vst.add.f32.msk $0xffff, v2  }
0xdc: {  	[tilespmem:s14+$0x12120] =	vst.add.f32.msk $0xffff, v3  }
0xdd: {  	[tilespmem:s14+$0x12130] =	vst.add.f32.msk $0xffff, v4  }
0xde: {  	[tilespmem:s14+$0x12140] =	vst.add.f32.msk $0xffff, v63  }
0xdf: {  	[tilespmem:s14+$0x12150] =	vst.add.f32.msk $0xffff, v5  }
0xe0: {  	[tilespmem:s14+$0x12160] =	vst.add.f32.msk $0xffff, v6  }
0xe1: {  	_ =	swait.ge [sflag:s21], $0x2400  }
0xe2: {  	[sflag:s21] =	ssyncset.done $0x0  }
0xe3: {  	s7 =	simm.s32 $0x200;
	s14 =	simm.s32 $0x0;
	[sflag:s21] =	ssyncadd.s32 $0xFFFFDC00  }
.LBB2_16:
0xe4: {  	p0 =	sne.s32 s7, $0xE00;
	v0 =	vld [tilespmem:s14+$0x5970]  }
0xe5: {  	v1 =	vld [tilespmem:s14+$0x5900]  }
0xe6: {  	v2 =	vld [tilespmem:s14+$0x5910]  }
0xe7: {  	v3 =	vld [tilespmem:s14+$0x5920]  }
0xe8: {  	v4 =	vld [tilespmem:s14+$0x5930]  }
0xe9: {  	[tilespmem:s14+$0x16170] =	vst.add.f32.msk $0xffff, v0  }
0xea: {  	v0 =	vld [tilespmem:s14+$0x5940]  }
0xeb: {  	v5 =	vld [tilespmem:s14+$0x5950]  }
0xec: {  	v6 =	vld [tilespmem:s14+$0x5960]  }
0xed: {  	[tilespmem:s14+$0x16100] =	vst.add.f32.msk $0xffff, v1  }
0xee: {  	[tilespmem:s14+$0x16110] =	vst.add.f32.msk $0xffff, v2  }
.Ltmp10:
0xef: {  	[tilespmem:s14+$0x16120] =	vst.add.f32.msk $0xffff, v3;
	(pc) =	sbr.rel @p0 .LBB2_16-.Ltmp10, $4  }
0xf0: {  	[tilespmem:s14+$0x16130] =	vst.add.f32.msk $0xffff, v4  }
0xf1: {  	[tilespmem:s14+$0x16140] =	vst.add.f32.msk $0xffff, v0  }
0xf2: {  	[tilespmem:s14+$0x16150] =	vst.add.f32.msk $0xffff, v5  }
0xf3: {  	[tilespmem:s14+$0x16160] =	vst.add.f32.msk $0xffff, v6;
	s14 =	sshra.s32 s7, $0x2;
	s7 =	sadd.s32 $0x200, s7  }
0xf4: {  	v0 =	vld [tilespmem:s14+$0x5970]  }
0xf5: {  	v1 =	vld [tilespmem:s14+$0x5900]  }
0xf6: {  	v2 =	vld [tilespmem:s14+$0x5910]  }
0xf7: {  	v3 =	vld [tilespmem:s14+$0x5920]  }
0xf8: {  	v4 =	vld [tilespmem:s14+$0x5930]  }
0xf9: {  	v63 =	vld [tilespmem:s14+$0x5940]  }
0xfa: {  	v5 =	vld [tilespmem:s14+$0x5950]  }
0xfb: {  	v6 =	vld [tilespmem:s14+$0x5960]  }
0xfc: {  	[tilespmem:s14+$0x16170] =	vst.add.f32.msk $0xffff, v0  }
0xfd: {  	[tilespmem:s14+$0x16100] =	vst.add.f32.msk $0xffff, v1  }
0xfe: {  	[tilespmem:s14+$0x16110] =	vst.add.f32.msk $0xffff, v2  }
0xff: {  	s2 =	smul.u32 $0xC8, s2;
	[tilespmem:s14+$0x16120] =	vst.add.f32.msk $0xffff, v3  }
0x100: {  	[tilespmem:s14+$0x16130] =	vst.add.f32.msk $0xffff, v4  }
0x101: {  	s2 =	sadd.s32 s6, s2;
	[tilespmem:s14+$0x16140] =	vst.add.f32.msk $0xffff, v63  }
0x102: {  	s2 =	sshll.u32 s2, $0x4;
	[tilespmem:s14+$0x16150] =	vst.add.f32.msk $0xffff, v5  }
0x103: {  	s7 =	simm.s32 $0x0;
	s2 =	sadd.s32 s4, s2;
	[tilespmem:s14+$0x16160] =	vst.add.f32.msk $0xffff, v6  }
0x104: {  	[hbm4b:s2+s7] =	stream.linear.scatter [tilespmem:s22], [sflag:$0x8], $0x4400, $0x38;
	[tilespmem:$0x18500] =	vst v63  }
0x105: {  	s2 =	simm.s32 $0x0;
	s7 =	simm.s32 $0x200  }
.LBB2_18:
0x106: {  	p0 =	sne.s32 s7, $0x7E00;
	v0 =	vld [tilespmem:s2+$0x5D70]  }
0x107: {  	v1 =	vld [tilespmem:s2+$0x5D00]  }
0x108: {  	v2 =	vld [tilespmem:s2+$0x5D10]  }
0x109: {  	v3 =	vld [tilespmem:s2+$0x5D20]  }
0x10a: {  	v4 =	vld [tilespmem:s2+$0x5D30]  }
0x10b: {  	[tilespmem:s2+$0x16570] =	vst.add.f32.msk $0xffff, v0  }
0x10c: {  	v0 =	vld [tilespmem:s2+$0x5D40]  }
0x10d: {  	v5 =	vld [tilespmem:s2+$0x5D50]  }
0x10e: {  	v6 =	vld [tilespmem:s2+$0x5D60]  }
0x10f: {  	[tilespmem:s2+$0x16500] =	vst.add.f32.msk $0xffff, v1  }
0x110: {  	[tilespmem:s2+$0x16510] =	vst.add.f32.msk $0xffff, v2  }
.Ltmp11:
0x111: {  	[tilespmem:s2+$0x16520] =	vst.add.f32.msk $0xffff, v3;
	(pc) =	sbr.rel @p0 .LBB2_18-.Ltmp11, $4  }
0x112: {  	[tilespmem:s2+$0x16530] =	vst.add.f32.msk $0xffff, v4  }
0x113: {  	[tilespmem:s2+$0x16540] =	vst.add.f32.msk $0xffff, v0  }
0x114: {  	[tilespmem:s2+$0x16550] =	vst.add.f32.msk $0xffff, v5  }
0x115: {  	[tilespmem:s2+$0x16560] =	vst.add.f32.msk $0xffff, v6;
	s2 =	sshra.s32 s7, $0x2;
	s7 =	sadd.s32 $0x200, s7  }
0x116: {  	v0 =	vld [tilespmem:s2+$0x5D70]  }
0x117: {  	v1 =	vld [tilespmem:s2+$0x5D00]  }
0x118: {  	v2 =	vld [tilespmem:s2+$0x5D10]  }
0x119: {  	v3 =	vld [tilespmem:s2+$0x5D20]  }
0x11a: {  	v4 =	vld [tilespmem:s2+$0x5D30]  }
0x11b: {  	v63 =	vld [tilespmem:s2+$0x5D40]  }
0x11c: {  	v5 =	vld [tilespmem:s2+$0x5D50]  }
0x11d: {  	v6 =	vld [tilespmem:s2+$0x5D60]  }
0x11e: {  	[tilespmem:s2+$0x16570] =	vst.add.f32.msk $0xffff, v0  }
0x11f: {  	[tilespmem:s2+$0x16500] =	vst.add.f32.msk $0xffff, v1  }
0x120: {  	[tilespmem:s2+$0x16510] =	vst.add.f32.msk $0xffff, v2  }
0x121: {  	[tilespmem:s2+$0x16520] =	vst.add.f32.msk $0xffff, v3  }
0x122: {  	[tilespmem:s2+$0x16530] =	vst.add.f32.msk $0xffff, v4  }
0x123: {  	[tilespmem:s2+$0x16540] =	vst.add.f32.msk $0xffff, v63  }
0x124: {  	p0 =	seq.s32 s3, $0x0;
	[tilespmem:s2+$0x16550] =	vst.add.f32.msk $0xffff, v5  }
0x125: {  	[tilespmem:s2+$0x16560] =	vst.add.f32.msk $0xffff, v6;
	s2 =	simm.s32 @!p0 $0xA  }
0x126: {  	_ =	swait.ge @!p0 [sflag:s2], $0x400  }
0x127: {  	s3 =	sadd.s32 $0x1, s3;
	[sflag:s2] =	ssyncset.done @!p0 $0x0  }
0x128: {  	[sflag:s2] =	ssyncadd.s32 @!p0 $0xFFFFFC00;
	p0 =	sne.s32 s3, $0x11  }
.Ltmp12:
0x129: {  	_ = 	snop;
	(pc) =	sbr.rel @p0 .LBB2_2-.Ltmp12, $4  }
.Ltmp13:
0x12a: {  	_ = 	snop;
	(pc) =	sbr.rel @!p0 .LBB2_20-.Ltmp13, $4  }
0x12b: {  	_ = 	snop  }
0x12c: {  	_ = 	snop  }
0x12d: {  	[spmem:s10] =	stream.linear.scatter [tilespmem:s23], [sflag:$0x6], $0x2000, $0x38;
	[tilespmem:$0x18500] =	vst v63  }
0x12e: {  	_ = 	snop  }
.LBB2_21:
0x12f: {  	_ =	sfence.sel $0x180000  }
0x130: {  	[bflag:$0x0] =	sbarrier.arrive $0xFFFF  }
0x131: {  	_ =	strace $0x90000047  }
0x132: {  	[bflag:$0x2] =	sbarrier.arrive $0xFFFF  }
0x133: {  	p0 =	sne.s32 s1, $0x0;
	s0 =	rddreg [dreg:$0x5]  }
0x134: {  	s0 =	sadd.s32 @!p0 $0x100000, s0  }
0x135: {  	[sflag:s0] =	ssyncadd.tile.s32 @!p0 $0x1;
	_ =	shalt  }
.Lfunc_end2:
_tile_overlayer_lowered:
.L_overlay_start_2:
0x136: {  	(tag) =	ssettag $0x2  }
0x137: {  	s0 =	rddreg [dreg:$0x0];
	s2 =	stileid.u32  }
0x138: {  	s1 =	rddreg [dreg:$0x1];
	p0 =	sne.s32 s2, $0x0  }
0x139: {  	s3 =	rddreg [dreg:$0x2];
	[bflag:$0x3] =	sbarrier.arrive $0xFFFF;
	s2 =	simm.s32 @!p0 $0x1C0C  }
0x13a: {  	[timem:s3], [sflag:s2] =	dma.local @!p0 [hbm:s0], s1  }
0x13b: {  	s0 =	simm.s32 @!p0 $0xC  }
0x13c: {  	_ =	swait.ge @!p0 [sflag:s0], s1  }
0x13d: {  	s1 =	ssub.s32 @!p0 $0x0, s1;
	[sflag:s0] =	ssyncset.done @!p0 $0x0  }
0x13e: {  	[sflag:s0] =	ssyncadd.s32 @!p0 s1  }
0x13f: {  	[bflag:$0x3] =	sbarrier.arrive $0xFFFF  }
0x140: {  	_ =	shalt  }

</sc_bundles>
